<compile_context>
chip_gen: v7x
topology: tpu7x:2x2x1
jax: 0.10.2.dev20260603
libtpu: 0.0.44.dev20260713+nightly
codegen_flags: <defaults>
</compile_context>

<pallas_src>
import functools

import jax
import jax.numpy as jnp
from jax import lax
from jax.experimental import pallas as pl
from jax.experimental.pallas import tpu as pltpu
from jax.experimental.pallas import tpu_sc as plsc

_EPSILON = 1e-5
_BN_EPS = 1e-5

_N_CORES = 2
_N_SUB = 16
_CH = 128
_CHS = 64



def _node_proj_body(h_ref, w_ref, b_ref, he_ref, uh_ref, vh_ref, pw_ref):
    out = (jnp.dot(h_ref[...], w_ref[...], preferred_element_type=jnp.float32)
           + b_ref[...])
    d = he_ref.shape[1]
    he_ref[...] = out[:, :d]
    uh_ref[...] = out[:, d:2 * d]
    vh_ref[...] = out[:, 2 * d:3 * d]
    pw_ref[...] = out[:, 3 * d:]


def _node_proj(h, w_big, b_big):
    n, d = h.shape
    d_out = w_big.shape[1]
    blk = 2000
    grid = n // blk
    one = jax.ShapeDtypeStruct((n, d), jnp.float32)
    return pl.pallas_call(
        _node_proj_body,
        grid=(grid,),
        in_specs=[
            pl.BlockSpec((blk, h.shape[1]), lambda i: (i, 0)),
            pl.BlockSpec((w_big.shape[0], d_out), lambda i: (0, 0)),
            pl.BlockSpec((1, d_out), lambda i: (0, 0)),
        ],
        out_specs=[pl.BlockSpec((blk, d), lambda i: (i, 0))] * 4,
        out_shape=[one, one, one, one],
    )(h, w_big, b_big)



def _edge_proj_body(e_ref, w_ref, b_ref, eemb_ref, w1e_ref):
    out = (jnp.dot(e_ref[...], w_ref[...], preferred_element_type=jnp.float32)
           + b_ref[...])
    eemb_ref[...] = out[:, :128]
    w1e_ref[...] = out[:, 128:]


def _edge_proj(e8, w_bd, b_bd):
    m8 = e8.shape[0]
    blk = 4000
    grid = m8 // blk
    one = jax.ShapeDtypeStruct((m8, 128), jnp.float32)
    return pl.pallas_call(
        _edge_proj_body,
        grid=(grid,),
        in_specs=[
            pl.BlockSpec((blk, 128), lambda i: (i, 0)),
            pl.BlockSpec((128, 256), lambda i: (0, 0)),
            pl.BlockSpec((1, 256), lambda i: (0, 0)),
        ],
        out_specs=[pl.BlockSpec((blk, 128), lambda i: (i, 0))] * 2,
        out_shape=[one, one],
    )(e8, w_bd, b_bd)



def _edge_update_body(m_total, k, pre_ref, eemb_ref, sp_ref, gb_ref, wbig_ref,
                      enew_ref, sig_ref):
    ssum = jnp.sum(sp_ref[:, 0, :], axis=0, keepdims=True)
    ssq = jnp.sum(sp_ref[:, 1, :], axis=0, keepdims=True)
    mean = ssum * (1.0 / m_total)
    var = ssq * (1.0 / m_total) - mean * mean
    inv = 1.0 / jnp.sqrt(var + _BN_EPS)
    mean_t = jnp.concatenate([mean] * 8, axis=1)
    inv_t = jnp.concatenate([inv] * 8, axis=1)
    gamma_t = jnp.concatenate([gb_ref[0:1, :]] * 8, axis=1)
    beta_t = jnp.concatenate([gb_ref[1:2, :]] * 8, axis=1)
    pre = pre_ref[...]
    bn = (pre - mean_t) * inv_t * gamma_t + beta_t
    e_new = eemb_ref[...] + jnp.maximum(bn, 0.0)
    enew_ref[...] = e_new
    s = jax.nn.sigmoid(e_new)
    sig = jnp.dot(s, wbig_ref[...], preferred_element_type=jnp.float32)
    half = sig.shape[1] // 2
    sig_ref[0, :, :] = sig[:, :half]
    sig_ref[1, :, :] = sig[:, half:]


def _edge_update(pre8, e_emb8, stats_partial, gamma, beta, w_big, k):
    m8 = pre8.shape[0]
    nw = stats_partial.shape[0]
    gb = jnp.stack([gamma, beta], axis=0)
    blk = 1000
    grid = m8 // blk
    dw = w_big.shape[1]
    return pl.pallas_call(
        functools.partial(_edge_update_body, float(m8 * 128 // k), k),
        grid=(grid,),
        in_specs=[
            pl.BlockSpec((blk, 128), lambda i: (i, 0)),
            pl.BlockSpec((blk, 128), lambda i: (i, 0)),
            pl.BlockSpec((nw, 8, k), lambda i: (0, 0, 0)),
            pl.BlockSpec((2, k), lambda i: (0, 0)),
            pl.BlockSpec((128, dw), lambda i: (0, 0)),
        ],
        out_specs=[
            pl.BlockSpec((blk, 128), lambda i: (i, 0)),
            pl.BlockSpec((2, blk, dw // 2), lambda i: (0, i, 0)),
        ],
        out_shape=[
            jax.ShapeDtypeStruct((m8, 128), jnp.float32),
            jax.ShapeDtypeStruct((2, m8, dw // 2), jnp.float32),
        ],
    )(pre8, e_emb8, stats_partial, gb, w_big)



def _sc_pre(pw, w1e8, edge_index, k):
    n_e = w1e8.shape[0] * w1e8.shape[1] // k
    rows_per_chunk = _CH * k // 128
    n_chunks = n_e // _CH
    n_workers = _N_CORES * _N_SUB
    chunks_per_worker = -(-n_chunks // n_workers)
    mesh = plsc.VectorSubcoreMesh(core_axis_name="c", subcore_axis_name="s",
                                  num_cores=_N_CORES, num_subcores=_N_SUB)

    @functools.partial(
        pl.kernel,
        out_type=[jax.ShapeDtypeStruct(w1e8.shape, jnp.float32),
                  jax.ShapeDtypeStruct((n_workers, 8, k), jnp.float32)],
        mesh=mesh,
        scratch_types=[
            [pltpu.VMEM((_CH,), jnp.int32)] * 2,
            [pltpu.VMEM((_CH,), jnp.int32)] * 2,
            [pltpu.VMEM((rows_per_chunk, 128), jnp.float32)] * 2,
            [pltpu.VMEM((_CH, 128), jnp.float32)] * 2,
            [pltpu.VMEM((_CH, 128), jnp.float32)] * 2,
            [pltpu.VMEM((rows_per_chunk, 128), jnp.float32)] * 2,
            pltpu.VMEM((2, k), jnp.float32),
            [pltpu.SemaphoreType.DMA] * 2,
            [pltpu.SemaphoreType.DMA] * 2,
            [pltpu.SemaphoreType.DMA] * 2,
        ],
    )
    def launch(pw_h, w1e_h, ei_h, pre_out, stats_out,
               src_b, dst_b, w1e_b, sb, db, pre_b, st_buf, sem_in, sem_g, sem_o):
        c = lax.axis_index("c")
        s = lax.axis_index("s")
        wid = c * _N_SUB + s
        zero = jnp.zeros((k,), jnp.float32)
        st_buf[0, :] = zero
        st_buf[1, :] = zero

        def fire_in(i, b):
            j = i * n_workers + wid

            @pl.when(j < n_chunks)
            def _():
                base = j * _CH
                pltpu.async_copy(ei_h.at[0, pl.ds(base, _CH)], src_b[b], sem_in[b])
                pltpu.async_copy(ei_h.at[1, pl.ds(base, _CH)], dst_b[b], sem_in[b])
                pltpu.async_copy(w1e_h.at[pl.ds(j * rows_per_chunk, rows_per_chunk)],
                                 w1e_b[b], sem_in[b])

        def wait_in(b):
            pltpu.make_async_copy(ei_h.at[0, pl.ds(0, _CH)], src_b[b], sem_in[b]).wait()
            pltpu.make_async_copy(ei_h.at[1, pl.ds(0, _CH)], dst_b[b], sem_in[b]).wait()
            pltpu.make_async_copy(w1e_h.at[pl.ds(0, rows_per_chunk)], w1e_b[b],
                                 sem_in[b]).wait()

        fire_in(0, 0)
        fire_in(1, 1)
        n_pairs = -(-chunks_per_worker // 2)

        def pair_body(p, carry):
            i0 = 2 * p
            for b in range(2):
                j = (i0 + b) * n_workers + wid

                @pl.when(j < n_chunks)
                def _():
                    wait_in(b)
                    pltpu.async_copy(pw_h.at[src_b[b]], sb[b], sem_g[b])
                    pltpu.async_copy(pw_h.at[dst_b[b]], db[b], sem_g[b])

            for b in range(2):
                i = i0 + b
                j = i * n_workers + wid
                base = j * _CH

                @pl.when(j < n_chunks)
                def _(b=b, i=i, j=j):
                    pltpu.make_async_copy(pw_h.at[src_b[b]], sb[b], sem_g[b]).wait()
                    pltpu.make_async_copy(pw_h.at[dst_b[b]], db[b], sem_g[b]).wait()

                    @pl.when(i >= 2)
                    def _():
                        pltpu.make_async_copy(pre_b[b],
                                              pre_out.at[pl.ds(0, rows_per_chunk)],
                                              sem_o[b]).wait()

                    def row_body(r, rc):
                        sm, sq = rc
                        pr = r // 8
                        pc = (r % 8) * k
                        v = (w1e_b[b][pr, pl.ds(pc, k)] + sb[b][r, pl.ds(0, k)]
                             + db[b][r, pl.ds(k, k)])
                        pre_b[b][pr, pl.ds(pc, k)] = v
                        return (sm + v, sq + v * v)

                    sm2, sq2 = lax.fori_loop(0, _CH, row_body,
                                             (st_buf[0, :], st_buf[1, :]))
                    st_buf[0, :] = sm2
                    st_buf[1, :] = sq2
                    pltpu.async_copy(pre_b[b],
                                     pre_out.at[pl.ds(j * rows_per_chunk,
                                                      rows_per_chunk)], sem_o[b])

                fire_in(i + 2, b)

            return carry

        lax.fori_loop(0, n_pairs, pair_body, 0)
        for b in range(2):
            pltpu.make_async_copy(pre_b[b], pre_out.at[pl.ds(0, rows_per_chunk)],
                                  sem_o[b]).wait()
        pltpu.sync_copy(st_buf, stats_out.at[wid, pl.ds(0, 2)])

    return launch(pw, w1e8, edge_index)



def _sc_scatter(sigma2, vh, edge_index, zeros_half):
    n_e = sigma2.shape[1]
    n = vh.shape[0]
    half = vh.shape[1] // 2
    n_chunks = n_e // _CHS
    chunks_per_tile = -(-n_chunks // _N_SUB)
    rows_per_tile = (n // _N_SUB) // 8 * 8
    rows_rem = n - rows_per_tile * _N_SUB
    mesh = plsc.VectorSubcoreMesh(core_axis_name="c", subcore_axis_name="s",
                                  num_cores=_N_CORES, num_subcores=_N_SUB)

    @functools.partial(
        pl.kernel,
        out_type=jax.ShapeDtypeStruct((_N_CORES, n, 2 * half), jnp.float32),
        mesh=mesh,
        scratch_types=[
            pltpu.VMEM_SHARED((n, 2 * half), jnp.float32),
            [pltpu.VMEM((_CHS,), jnp.int32)] * 2,
            [pltpu.VMEM((_CHS,), jnp.int32)] * 2,
            [pltpu.VMEM((_CHS, half), jnp.float32)] * 2,
            [pltpu.VMEM((_CHS, 2 * half), jnp.float32)] * 2,
            [pltpu.VMEM((_CHS, 2 * half), jnp.float32)] * 2,
            [pltpu.SemaphoreType.DMA] * 2,
            [pltpu.SemaphoreType.DMA] * 2,
        ],
    )
    def launch(sig_h, vh_h, ei_h, z_h, acc_out,
               acc, src_b, dst_b, sig_b, vh_b, comb_b, sem_in, sem_g):
        c = lax.axis_index("c")
        s = lax.axis_index("s")
        row0 = s * rows_per_tile
        pltpu.sync_copy(z_h.at[pl.ds(row0, rows_per_tile)],
                        acc.at[pl.ds(row0, rows_per_tile)])
        if rows_rem:
            tail = rows_per_tile * _N_SUB

            @pl.when(s == 0)
            def _():
                pltpu.sync_copy(z_h.at[pl.ds(tail, rows_rem)],
                                acc.at[pl.ds(tail, rows_rem)])
        plsc.subcore_barrier()

        col0 = c * half

        def fire_in(i, b):
            j = i * _N_SUB + s

            @pl.when(j < n_chunks)
            def _():
                base = j * _CHS
                pltpu.async_copy(ei_h.at[0, pl.ds(base, _CHS)], src_b[b], sem_in[b])
                pltpu.async_copy(ei_h.at[1, pl.ds(base, _CHS)], dst_b[b], sem_in[b])
                pltpu.async_copy(sig_h.at[c, pl.ds(base, _CHS)], sig_b[b], sem_in[b])

        def wait_in(b):
            pltpu.make_async_copy(ei_h.at[0, pl.ds(0, _CHS)], src_b[b], sem_in[b]).wait()
            pltpu.make_async_copy(ei_h.at[1, pl.ds(0, _CHS)], dst_b[b], sem_in[b]).wait()
            pltpu.make_async_copy(sig_h.at[c, pl.ds(0, _CHS)], sig_b[b], sem_in[b]).wait()

        def compute(b):
            def row_body(r, rc):
                for q in range(half // 16):
                    sl = pl.ds(q * 16, 16)
                    vsl = pl.ds(col0 + q * 16, 16)
                    sv = sig_b[b][r, sl]
                    comb_b[b][r, sl] = vh_b[b][r, vsl] * sv
                    comb_b[b][r, pl.ds(half + q * 16, 16)] = sv
                return rc

            lax.fori_loop(0, _CHS, row_body, 0)

        fire_in(0, 0)
        fire_in(1, 1)
        n_pairs = -(-chunks_per_tile // 2)

        def pair_body(p, carry):
            i0 = 2 * p
            for b in range(2):
                i = i0 + b
                j = i * _N_SUB + s

                @pl.when(j < n_chunks)
                def _():
                    wait_in(b)
                    pltpu.async_copy(vh_h.at[src_b[b]], vh_b[b], sem_g[b])

            for b in range(2):
                i = i0 + b
                j = i * _N_SUB + s

                @pl.when(j < n_chunks)
                def _():
                    pltpu.make_async_copy(vh_h.at[src_b[b]], vh_b[b], sem_g[b]).wait()
                    compute(b)
                    pltpu.sync_copy(comb_b[b], acc.at[dst_b[b]], add=True)

                fire_in(i + 2, b)

            return carry

        lax.fori_loop(0, n_pairs, pair_body, 0)
        plsc.subcore_barrier()
        pltpu.sync_copy(acc.at[pl.ds(row0, rows_per_tile)],
                        acc_out.at[c, pl.ds(row0, rows_per_tile)])
        if rows_rem:
            tail = rows_per_tile * _N_SUB

            @pl.when(s == 0)
            def _():
                pltpu.sync_copy(acc.at[pl.ds(tail, rows_rem)],
                                acc_out.at[c, pl.ds(tail, rows_rem)])

    return launch(sigma2, vh, edge_index, zeros_half)



def _node_update_body(hemb_ref, uh_ref, acc_ref, gb_ref, out_ref):
    half = acc_ref.shape[2] // 2
    num = jnp.concatenate([acc_ref[0, :, :half], acc_ref[1, :, :half]], axis=1)
    den = jnp.concatenate([acc_ref[0, :, half:], acc_ref[1, :, half:]], axis=1)
    x = uh_ref[...] + num / (den + _EPSILON)
    n = x.shape[0]
    mean = jnp.sum(x, axis=0, keepdims=True) / n
    var = jnp.sum((x - mean) ** 2, axis=0, keepdims=True) / n
    bn = (x - mean) * jax.lax.rsqrt(var + _BN_EPS) * gb_ref[0:1, :] + gb_ref[1:2, :]
    out_ref[...] = hemb_ref[...] + jnp.maximum(bn, 0.0)


def _node_update(h_emb, uh, acc2, gamma, beta):
    n, d = h_emb.shape
    gb = jnp.stack([gamma, beta], axis=0)
    return pl.pallas_call(
        _node_update_body,
        in_specs=[
            pl.BlockSpec((n, d), lambda: (0, 0)),
            pl.BlockSpec((n, d), lambda: (0, 0)),
            pl.BlockSpec((2, n, d), lambda: (0, 0, 0)),
            pl.BlockSpec((2, d), lambda: (0, 0)),
        ],
        out_specs=pl.BlockSpec((n, d), lambda: (0, 0)),
        out_shape=jax.ShapeDtypeStruct((n, d), jnp.float32),
    )(h_emb, uh, acc2, gb)



def kernel(h, e, edge_index, Wn, We, Weta, Uw, Ub, Vw, Vb, W1w, W1b, W2w, W2b,
           W3w, W3b, hbn_gamma, hbn_beta, ebn_gamma, ebn_beta):
    src = edge_index[0]
    dst = edge_index[1]
    n, d = h.shape
    m, k = e.shape

    pad = d - 2 * k
    w_node = jnp.concatenate(
        [Wn, Uw, Vw, W2w, W3w, jnp.zeros((d, pad), jnp.float32)], axis=1)
    b_node = jnp.concatenate(
        [jnp.zeros((d,), jnp.float32), Ub, Vb, W2b, W3b,
         jnp.zeros((pad,), jnp.float32)], axis=0)[None, :]
    h_emb, uh, vh, pw = _node_proj(h, w_node, b_node)

    g = 128 // k
    eye_g = jnp.eye(g, dtype=jnp.float32)
    bd_we = jnp.einsum('ab,ij->aibj', eye_g, We).reshape(128, 128)
    bd_w1 = jnp.einsum('ab,ij->aibj', eye_g, W1w).reshape(128, 128)
    w_bd = jnp.concatenate([bd_we, bd_w1], axis=1)
    b_bd = jnp.concatenate(
        [jnp.zeros((128,), jnp.float32), jnp.tile(W1b, g)], axis=0)[None, :]
    e8 = e.reshape(m // g, 128)
    e_emb8, w1e8 = _edge_proj(e8, w_bd, b_bd)

    pre8, stats_partial = _sc_pre(pw, w1e8, edge_index, k)

    half = d // 2
    w_big = jnp.zeros((128, 1024), jnp.float32)
    for mm in range(g):
        w_big = w_big.at[mm * k:(mm + 1) * k,
                         mm * half:(mm + 1) * half].set(Weta[:, :half])
        w_big = w_big.at[mm * k:(mm + 1) * k,
                         512 + mm * half:512 + (mm + 1) * half].set(Weta[:, half:])

    e_new8, sigma2p = _edge_update(pre8, e_emb8, stats_partial,
                                   ebn_gamma, ebn_beta, w_big, k)
    e_new = e_new8.reshape(m, k)
    sigma2 = sigma2p.reshape(2, m, half)

    zeros_full = jnp.zeros((n, d), jnp.float32)
    acc2 = _sc_scatter(sigma2, vh, edge_index, zeros_full)

    h_new = _node_update(h_emb, uh, acc2, hbn_gamma, hbn_beta)
    return (h_new, e_new)

# --- scband reference (transcript-rebuilt; emitter-appended) ---
"""Pipeline reference for scband-gated-gcnlayer-20134806684396 (READ-ONLY COPY).

The authoritative reference and input builder live on the scoring server;
editing this copy changes nothing except your own understanding.
"""

import jax, jax.numpy as jnp
import numpy as np

EPSILON = 1e-5
BN_EPS = 1e-5

def _bn(x, gamma, beta):
    mean = jnp.mean(x, axis=0, keepdims=True)
    var = jnp.var(x, axis=0, keepdims=True)
    return (x - mean) / jnp.sqrt(var + BN_EPS) * gamma + beta

def setup_inputs(seed: int = 0):
    key = jax.random.key(seed)
    ks = jax.random.split(key, 20)
    N = 10000; E = 320000
    d_in = 128; d_out = 128; e_in = 16; e_out = 16
    def lin_w(k, i, o):
        return (jax.random.normal(k, (i, o), dtype=jnp.float32) / np.sqrt(i)).astype(jnp.float32)
    inp = {}
    inp['h'] = jax.random.normal(ks[0], (N, d_in), dtype=jnp.float32)
    inp['e'] = jax.random.normal(ks[1], (E, e_in), dtype=jnp.float32)
    inp['edge_index'] = jax.random.randint(ks[2], (2, E), 0, N, dtype=jnp.int32)
    inp['Wn'] = lin_w(ks[3], d_in, d_out)
    inp['We'] = lin_w(ks[4], e_in, e_out)
    inp['Weta'] = lin_w(ks[5], e_out, d_out)
    inp['Uw'] = lin_w(ks[6], d_in, d_out); inp['Ub'] = jnp.zeros((d_out,), jnp.float32)
    inp['Vw'] = lin_w(ks[7], d_in, d_out); inp['Vb'] = jnp.zeros((d_out,), jnp.float32)
    inp['W1w'] = lin_w(ks[8], e_in, e_out); inp['W1b'] = jnp.zeros((e_out,), jnp.float32)
    inp['W2w'] = lin_w(ks[9], d_in, e_out); inp['W2b'] = jnp.zeros((e_out,), jnp.float32)
    inp['W3w'] = lin_w(ks[10], d_in, e_out); inp['W3b'] = jnp.zeros((e_out,), jnp.float32)
    inp['hbn_gamma'] = jnp.ones((d_out,), jnp.float32); inp['hbn_beta'] = jnp.zeros((d_out,), jnp.float32)
    inp['ebn_gamma'] = jnp.ones((e_out,), jnp.float32); inp['ebn_beta'] = jnp.zeros((e_out,), jnp.float32)
    return inp

def reference(h, e, edge_index, Wn, We, Weta, Uw, Ub, Vw, Vb, W1w, W1b, W2w, W2b, W3w, W3b, hbn_gamma, hbn_beta, ebn_gamma, ebn_beta):
    src = edge_index[0]; dst = edge_index[1]
    N = h.shape[0]
    # node-wise dense projections
    h_emb = h @ Wn
    Uh = h @ Uw + Ub
    Vh = h @ Vw + Vb
    W2h = h @ W2w + W2b
    W3h = h @ W3w + W3b
    # edge-wise dense projections
    e_emb = e @ We
    W1e = e @ W1w + W1b
    # message: e_ij = emb_e(e) + ReLU(BN(W1 e + W2 h_src + W3 h_dst))
    pre_e = W1e + jnp.take(W2h, src, axis=0) + jnp.take(W3h, dst, axis=0)
    e_new = e_emb + jax.nn.relu(_bn(pre_e, ebn_gamma, ebn_beta))
    # gating: sigma_ij = emb_eta(sigmoid(e_ij))
    sigma = jax.nn.sigmoid(e_new) @ Weta
    # reduce: per-dst sum(sigma * Vh_src) / (sum(sigma) + eps)
    num = jnp.zeros((N, sigma.shape[1]), sigma.dtype).at[dst].add(sigma * jnp.take(Vh, src, axis=0))
    den = jnp.zeros((N, sigma.shape[1]), sigma.dtype).at[dst].add(sigma)
    h_new = h_emb + jax.nn.relu(_bn(Uh + num / (den + EPSILON), hbn_gamma, hbn_beta))
    return (h_new, e_new)

if __name__ == "__main__":
    import jax
    _d = setup_inputs()
    print(jax.jit(kernel)(*tuple(_d.values())))

</pallas_src>

<mosaic_0001>
#map = affine_map<(d0, d1) -> (0, 0)>
#map1 = affine_map<(d0, d1) -> (0, 0, 0)>
module attributes {stable_mosaic.version = 14 : i64} {
  func.func @launch(%arg0: i32, %arg1: i32, %arg2: memref<10000x128xf32, #tpu.memory_space<hbm>>, %arg3: memref<40000x128xf32, #tpu.memory_space<hbm>>, %arg4: memref<2x320000xi32, #tpu.memory_space<hbm>>, %arg5: memref<40000x128xf32, #tpu.memory_space<hbm>>, %arg6: memref<32x8x16xf32, #tpu.memory_space<hbm>>, %arg7: memref<128xi32, #tpu.memory_space<vmem>>, %arg8: memref<128xi32, #tpu.memory_space<vmem>>, %arg9: memref<128xi32, #tpu.memory_space<vmem>>, %arg10: memref<128xi32, #tpu.memory_space<vmem>>, %arg11: memref<16x128xf32, #tpu.memory_space<vmem>>, %arg12: memref<16x128xf32, #tpu.memory_space<vmem>>, %arg13: memref<128x128xf32, #tpu.memory_space<vmem>>, %arg14: memref<128x128xf32, #tpu.memory_space<vmem>>, %arg15: memref<128x128xf32, #tpu.memory_space<vmem>>, %arg16: memref<128x128xf32, #tpu.memory_space<vmem>>, %arg17: memref<16x128xf32, #tpu.memory_space<vmem>>, %arg18: memref<16x128xf32, #tpu.memory_space<vmem>>, %arg19: memref<2x16xf32, #tpu.memory_space<vmem>>, %arg20: memref<!tpu.dma_semaphore, #tpu.memory_space<semaphore_mem>>, %arg21: memref<!tpu.dma_semaphore, #tpu.memory_space<semaphore_mem>>, %arg22: memref<!tpu.dma_semaphore, #tpu.memory_space<semaphore_mem>>, %arg23: memref<!tpu.dma_semaphore, #tpu.memory_space<semaphore_mem>>, %arg24: memref<!tpu.dma_semaphore, #tpu.memory_space<semaphore_mem>>, %arg25: memref<!tpu.dma_semaphore, #tpu.memory_space<semaphore_mem>>) attributes {dimension_semantics = [#tpu.dimension_semantics<core_parallel>, #tpu.dimension_semantics<subcore_parallel>], iteration_bounds = array<i64: 2, 16>, scalar_prefetch = 0 : i64, scratch_operands = 19 : i64, tpu.core_type = #tpu.core_type<sc_vector_subcore>, window_params = [{transform_indices = #map}, {transform_indices = #map}, {transform_indices = #map}, {transform_indices = #map}, {transform_indices = #map1}]} {
    %mul3A = arith.constant 16 : i32
    %mul3A_0 = arith.muli %arg0, %mul3A : i32
    %add3A = arith.addi %mul3A_0, %arg1 : i32
    %broadcast_in_dim3A = arith.constant 0.000000e+00 : f32
    %broadcast_in_dim3A_1 = vector.broadcast %broadcast_in_dim3A : f32 to vector<16xf32>
    %swap3A = arith.constant 0 : i32
    %swap3A_2 = arith.index_cast %swap3A : i32 to index
    %swap3A_3 = arith.constant 0 : index
    %swap3A_4 = tpu.vector_load %arg19[%swap3A_2, %swap3A_3] {strides = array<i32>} : memref<2x16xf32, #tpu.memory_space<vmem>>, vector<1x16xf32>,
    %swap3A_5 = vector.shape_cast %swap3A_4 : vector<1x16xf32> to vector<16xf32>
    %swap3A_6 = vector.shape_cast %broadcast_in_dim3A_1 : vector<16xf32> to vector<1x16xf32>
    tpu.vector_store %arg19[%swap3A_2, %swap3A_3], %swap3A_6 {strides = array<i32>} : memref<2x16xf32, #tpu.memory_space<vmem>>, vector<1x16xf32>,
    %swap3A_7 = arith.constant 1 : i32
    %swap3A_8 = arith.index_cast %swap3A_7 : i32 to index
    %swap3A_9 = arith.constant 0 : index
    %swap3A_10 = tpu.vector_load %arg19[%swap3A_8, %swap3A_9] {strides = array<i32>} : memref<2x16xf32, #tpu.memory_space<vmem>>, vector<1x16xf32>,
    %swap3A_11 = vector.shape_cast %swap3A_10 : vector<1x16xf32> to vector<16xf32>
    %swap3A_12 = vector.shape_cast %broadcast_in_dim3A_1 : vector<16xf32> to vector<1x16xf32>
    tpu.vector_store %arg19[%swap3A_8, %swap3A_9], %swap3A_12 {strides = array<i32>} : memref<2x16xf32, #tpu.memory_space<vmem>>, vector<1x16xf32>,
    %add3A_13 = arith.constant 0 : i32
    %add3A_14 = arith.addi %add3A_13, %add3A : i32
    %lt3A = arith.constant 2500 : i32
    %lt3A_15 = arith.cmpi slt, %add3A_14, %lt3A : i32
    %convert_element_type3A = arith.extui %lt3A_15 : i1 to i32
    %cond3A = arith.constant 0 : i32
    %cond3A_16 = arith.cmpi ne, %convert_element_type3A, %cond3A : i32
    scf.if %cond3A_16 {
      %mul3A_40 = arith.constant 128 : i32
      %mul3A_41 = arith.muli %add3A_14, %mul3A_40 : i32
      %dma_start3A = arith.constant 0 : i32
      %dma_start3A_42 = tpu.memref_slice %arg4[%dma_start3A, %mul3A_41] : memref<2x320000xi32, #tpu.memory_space<hbm>> -> memref<1x128xi32, #tpu.memory_space<hbm>>
      %dma_start3A_43 = tpu.memref_squeeze %dma_start3A_42 : memref<1x128xi32, #tpu.memory_space<hbm>> -> memref<128xi32, #tpu.memory_space<hbm>>
      %dma_start3A_44 = tpu.memref_slice %arg4[%dma_start3A, %mul3A_41] : memref<2x320000xi32, #tpu.memory_space<hbm>> -> memref<1x128xi32, #tpu.memory_space<hbm>>
      %dma_start3A_45 = tpu.memref_squeeze %dma_start3A_44 : memref<1x128xi32, #tpu.memory_space<hbm>> -> memref<128xi32, #tpu.memory_space<hbm>>
      tpu.enqueue_dma source(%dma_start3A_45 : memref<128xi32, #tpu.memory_space<hbm>>) target(%arg7 : memref<128xi32, #tpu.memory_space<vmem>>) target_semaphore(%arg20 : memref<!tpu.dma_semaphore, #tpu.memory_space<semaphore_mem>>)
      %dma_start3A_46 = arith.constant 1 : i32
      %dma_start3A_47 = tpu.memref_slice %arg4[%dma_start3A_46, %mul3A_41] : memref<2x320000xi32, #tpu.memory_space<hbm>> -> memref<1x128xi32, #tpu.memory_space<hbm>>
      %dma_start3A_48 = tpu.memref_squeeze %dma_start3A_47 : memref<1x128xi32, #tpu.memory_space<hbm>> -> memref<128xi32, #tpu.memory_space<hbm>>
      %dma_start3A_49 = tpu.memref_slice %arg4[%dma_start3A_46, %mul3A_41] : memref<2x320000xi32, #tpu.memory_space<hbm>> -> memref<1x128xi32, #tpu.memory_space<hbm>>
      %dma_start3A_50 = tpu.memref_squeeze %dma_start3A_49 : memref<1x128xi32, #tpu.memory_space<hbm>> -> memref<128xi32, #tpu.memory_space<hbm>>
      tpu.enqueue_dma source(%dma_start3A_50 : memref<128xi32, #tpu.memory_space<hbm>>) target(%arg9 : memref<128xi32, #tpu.memory_space<vmem>>) target_semaphore(%arg20 : memref<!tpu.dma_semaphore, #tpu.memory_space<semaphore_mem>>)
      %mul3A_51 = arith.constant 16 : i32
      %mul3A_52 = arith.muli %add3A_14, %mul3A_51 : i32
      %dma_start3A_53 = arith.constant 0 : i32
      %dma_start3A_54 = tpu.memref_slice %arg3[%mul3A_52, %dma_start3A_53] : memref<40000x128xf32, #tpu.memory_space<hbm>> -> memref<16x128xf32, #tpu.memory_space<hbm>>
      %dma_start3A_55 = arith.constant 0 : i32
      %dma_start3A_56 = tpu.memref_slice %arg3[%mul3A_52, %dma_start3A_55] : memref<40000x128xf32, #tpu.memory_space<hbm>> -> memref<16x128xf32, #tpu.memory_space<hbm>>
      tpu.enqueue_dma source(%dma_start3A_56 : memref<16x128xf32, #tpu.memory_space<hbm>>) target(%arg11 : memref<16x128xf32, #tpu.memory_space<vmem>>) target_semaphore(%arg20 : memref<!tpu.dma_semaphore, #tpu.memory_space<semaphore_mem>>)
    } else {
    }
    %add3A_17 = arith.constant 32 : i32
    %add3A_18 = arith.addi %add3A_17, %add3A : i32
    %lt3A_19 = arith.constant 2500 : i32
    %lt3A_20 = arith.cmpi slt, %add3A_18, %lt3A_19 : i32
    %convert_element_type3A_21 = arith.extui %lt3A_20 : i1 to i32
    %cond3A_22 = arith.constant 0 : i32
    %cond3A_23 = arith.cmpi ne, %convert_element_type3A_21, %cond3A_22 : i32
    scf.if %cond3A_23 {
      %mul3A_40 = arith.constant 128 : i32
      %mul3A_41 = arith.muli %add3A_18, %mul3A_40 : i32
      %dma_start3A = arith.constant 0 : i32
      %dma_start3A_42 = tpu.memref_slice %arg4[%dma_start3A, %mul3A_41] : memref<2x320000xi32, #tpu.memory_space<hbm>> -> memref<1x128xi32, #tpu.memory_space<hbm>>
      %dma_start3A_43 = tpu.memref_squeeze %dma_start3A_42 : memref<1x128xi32, #tpu.memory_space<hbm>> -> memref<128xi32, #tpu.memory_space<hbm>>
      %dma_start3A_44 = tpu.memref_slice %arg4[%dma_start3A, %mul3A_41] : memref<2x320000xi32, #tpu.memory_space<hbm>> -> memref<1x128xi32, #tpu.memory_space<hbm>>
      %dma_start3A_45 = tpu.memref_squeeze %dma_start3A_44 : memref<1x128xi32, #tpu.memory_space<hbm>> -> memref<128xi32, #tpu.memory_space<hbm>>
      tpu.enqueue_dma source(%dma_start3A_45 : memref<128xi32, #tpu.memory_space<hbm>>) target(%arg8 : memref<128xi32, #tpu.memory_space<vmem>>) target_semaphore(%arg21 : memref<!tpu.dma_semaphore, #tpu.memory_space<semaphore_mem>>)
      %dma_start3A_46 = arith.constant 1 : i32
      %dma_start3A_47 = tpu.memref_slice %arg4[%dma_start3A_46, %mul3A_41] : memref<2x320000xi32, #tpu.memory_space<hbm>> -> memref<1x128xi32, #tpu.memory_space<hbm>>
      %dma_start3A_48 = tpu.memref_squeeze %dma_start3A_47 : memref<1x128xi32, #tpu.memory_space<hbm>> -> memref<128xi32, #tpu.memory_space<hbm>>
      %dma_start3A_49 = tpu.memref_slice %arg4[%dma_start3A_46, %mul3A_41] : memref<2x320000xi32, #tpu.memory_space<hbm>> -> memref<1x128xi32, #tpu.memory_space<hbm>>
      %dma_start3A_50 = tpu.memref_squeeze %dma_start3A_49 : memref<1x128xi32, #tpu.memory_space<hbm>> -> memref<128xi32, #tpu.memory_space<hbm>>
      tpu.enqueue_dma source(%dma_start3A_50 : memref<128xi32, #tpu.memory_space<hbm>>) target(%arg10 : memref<128xi32, #tpu.memory_space<vmem>>) target_semaphore(%arg21 : memref<!tpu.dma_semaphore, #tpu.memory_space<semaphore_mem>>)
      %mul3A_51 = arith.constant 16 : i32
      %mul3A_52 = arith.muli %add3A_18, %mul3A_51 : i32
      %dma_start3A_53 = arith.constant 0 : i32
      %dma_start3A_54 = tpu.memref_slice %arg3[%mul3A_52, %dma_start3A_53] : memref<40000x128xf32, #tpu.memory_space<hbm>> -> memref<16x128xf32, #tpu.memory_space<hbm>>
      %dma_start3A_55 = arith.constant 0 : i32
      %dma_start3A_56 = tpu.memref_slice %arg3[%mul3A_52, %dma_start3A_55] : memref<40000x128xf32, #tpu.memory_space<hbm>> -> memref<16x128xf32, #tpu.memory_space<hbm>>
      tpu.enqueue_dma source(%dma_start3A_56 : memref<16x128xf32, #tpu.memory_space<hbm>>) target(%arg12 : memref<16x128xf32, #tpu.memory_space<vmem>>) target_semaphore(%arg21 : memref<!tpu.dma_semaphore, #tpu.memory_space<semaphore_mem>>)
    } else {
    }
    %scan3A = arith.constant 0 : i32
    %scan3A_24 = arith.constant 0 : i32
    %scan3A_25 = arith.constant 40 : i32
    %scan3A_26 = arith.addi %scan3A_24, %scan3A_25 : i32
    %scan3A_27 = arith.constant 1 : i32
    scf.for %scan3A_40 = %scan3A_24 to %scan3A_26 step %scan3A_27  : i32 {
      %mul3A_41 = arith.constant 2 : i32
      %mul3A_42 = arith.muli %mul3A_41, %scan3A_40 : i32
      %add3A_43 = arith.constant 0 : i32
      %add3A_44 = arith.addi %mul3A_42, %add3A_43 : i32
      %mul3A_45 = arith.constant 32 : i32
      %mul3A_46 = arith.muli %add3A_44, %mul3A_45 : i32
      %add3A_47 = arith.addi %mul3A_46, %add3A : i32
      %lt3A_48 = arith.constant 2500 : i32
      %lt3A_49 = arith.cmpi slt, %add3A_47, %lt3A_48 : i32
      %convert_element_type3A_50 = arith.extui %lt3A_49 : i1 to i32
      %cond3A_51 = arith.constant 0 : i32
      %cond3A_52 = arith.cmpi ne, %convert_element_type3A_50, %cond3A_51 : i32
      scf.if %cond3A_52 {
        %dma_wait3A_107 = arith.constant 0 : i32
        %dma_wait3A_108 = arith.constant 0 : i32
        %dma_wait3A_109 = tpu.memref_slice %arg4[%dma_wait3A_107, %dma_wait3A_108] : memref<2x320000xi32, #tpu.memory_space<hbm>> -> memref<1x128xi32, #tpu.memory_space<hbm>>
        %dma_wait3A_110 = tpu.memref_squeeze %dma_wait3A_109 : memref<1x128xi32, #tpu.memory_space<hbm>> -> memref<128xi32, #tpu.memory_space<hbm>>
        %dma_wait3A_111 = arith.constant 0 : i32
        %dma_wait3A_112 = tpu.memref_slice %arg4[%dma_wait3A_107, %dma_wait3A_111] : memref<2x320000xi32, #tpu.memory_space<hbm>> -> memref<1x128xi32, #tpu.memory_space<hbm>>
        %dma_wait3A_113 = tpu.memref_squeeze %dma_wait3A_112 : memref<1x128xi32, #tpu.memory_space<hbm>> -> memref<128xi32, #tpu.memory_space<hbm>>
        tpu.wait_dma2 semaphore(%arg20 : memref<!tpu.dma_semaphore, #tpu.memory_space<semaphore_mem>>) src(%dma_wait3A_113 : memref<128xi32, #tpu.memory_space<hbm>>) dst(%arg7 : memref<128xi32, #tpu.memory_space<vmem>>)
        %dma_wait3A_114 = arith.constant 1 : i32
        %dma_wait3A_115 = arith.constant 0 : i32
        %dma_wait3A_116 = tpu.memref_slice %arg4[%dma_wait3A_114, %dma_wait3A_115] : memref<2x320000xi32, #tpu.memory_space<hbm>> -> memref<1x128xi32, #tpu.memory_space<hbm>>
        %dma_wait3A_117 = tpu.memref_squeeze %dma_wait3A_116 : memref<1x128xi32, #tpu.memory_space<hbm>> -> memref<128xi32, #tpu.memory_space<hbm>>
        %dma_wait3A_118 = arith.constant 0 : i32
        %dma_wait3A_119 = tpu.memref_slice %arg4[%dma_wait3A_114, %dma_wait3A_118] : memref<2x320000xi32, #tpu.memory_space<hbm>> -> memref<1x128xi32, #tpu.memory_space<hbm>>
        %dma_wait3A_120 = tpu.memref_squeeze %dma_wait3A_119 : memref<1x128xi32, #tpu.memory_space<hbm>> -> memref<128xi32, #tpu.memory_space<hbm>>
        tpu.wait_dma2 semaphore(%arg20 : memref<!tpu.dma_semaphore, #tpu.memory_space<semaphore_mem>>) src(%dma_wait3A_120 : memref<128xi32, #tpu.memory_space<hbm>>) dst(%arg9 : memref<128xi32, #tpu.memory_space<vmem>>)
        %dma_wait3A_121 = arith.constant 0 : i32
        %dma_wait3A_122 = arith.constant 0 : i32
        %dma_wait3A_123 = tpu.memref_slice %arg3[%dma_wait3A_121, %dma_wait3A_122] : memref<40000x128xf32, #tpu.memory_space<hbm>> -> memref<16x128xf32, #tpu.memory_space<hbm>>
        %dma_wait3A_124 = arith.constant 0 : i32
        %dma_wait3A_125 = arith.constant 0 : i32
        %dma_wait3A_126 = tpu.memref_slice %arg3[%dma_wait3A_124, %dma_wait3A_125] : memref<40000x128xf32, #tpu.memory_space<hbm>> -> memref<16x128xf32, #tpu.memory_space<hbm>>
        tpu.wait_dma2 semaphore(%arg20 : memref<!tpu.dma_semaphore, #tpu.memory_space<semaphore_mem>>) src(%dma_wait3A_126 : memref<16x128xf32, #tpu.memory_space<hbm>>) dst(%arg11 : memref<16x128xf32, #tpu.memory_space<vmem>>)
        %dma_start3A = arith.constant 0 : i32
        %dma_start3A_127 = arith.constant 0 : i32
        %dma_start3A_128 = tpu.memref_slice %arg2[%dma_start3A, %dma_start3A_127] : memref<10000x128xf32, #tpu.memory_space<hbm>> -> memref<10000x128xf32, #tpu.memory_space<hbm>>
        tpu.enqueue_indirect_dma source(%dma_start3A_128 : memref<10000x128xf32, #tpu.memory_space<hbm>>) target(%arg13 : memref<128x128xf32, #tpu.memory_space<vmem>>) offsets(%arg7 : memref<128xi32, #tpu.memory_space<vmem>>) semaphore(%arg22 : memref<!tpu.dma_semaphore, #tpu.memory_space<semaphore_mem>>)
        %dma_start3A_129 = arith.constant 0 : i32
        %dma_start3A_130 = arith.constant 0 : i32
        %dma_start3A_131 = tpu.memref_slice %arg2[%dma_start3A_129, %dma_start3A_130] : memref<10000x128xf32, #tpu.memory_space<hbm>> -> memref<10000x128xf32, #tpu.memory_space<hbm>>
        tpu.enqueue_indirect_dma source(%dma_start3A_131 : memref<10000x128xf32, #tpu.memory_space<hbm>>) target(%arg15 : memref<128x128xf32, #tpu.memory_space<vmem>>) offsets(%arg9 : memref<128xi32, #tpu.memory_space<vmem>>) semaphore(%arg22 : memref<!tpu.dma_semaphore, #tpu.memory_space<semaphore_mem>>)
      } else {
      }
      %add3A_53 = arith.constant 1 : i32
      %add3A_54 = arith.addi %mul3A_42, %add3A_53 : i32
      %mul3A_55 = arith.constant 32 : i32
      %mul3A_56 = arith.muli %add3A_54, %mul3A_55 : i32
      %add3A_57 = arith.addi %mul3A_56, %add3A : i32
      %lt3A_58 = arith.constant 2500 : i32
      %lt3A_59 = arith.cmpi slt, %add3A_57, %lt3A_58 : i32
      %convert_element_type3A_60 = arith.extui %lt3A_59 : i1 to i32
      %cond3A_61 = arith.constant 0 : i32
      %cond3A_62 = arith.cmpi ne, %convert_element_type3A_60, %cond3A_61 : i32
      scf.if %cond3A_62 {
        %dma_wait3A_107 = arith.constant 0 : i32
        %dma_wait3A_108 = arith.constant 0 : i32
        %dma_wait3A_109 = tpu.memref_slice %arg4[%dma_wait3A_107, %dma_wait3A_108] : memref<2x320000xi32, #tpu.memory_space<hbm>> -> memref<1x128xi32, #tpu.memory_space<hbm>>
        %dma_wait3A_110 = tpu.memref_squeeze %dma_wait3A_109 : memref<1x128xi32, #tpu.memory_space<hbm>> -> memref<128xi32, #tpu.memory_space<hbm>>
        %dma_wait3A_111 = arith.constant 0 : i32
        %dma_wait3A_112 = tpu.memref_slice %arg4[%dma_wait3A_107, %dma_wait3A_111] : memref<2x320000xi32, #tpu.memory_space<hbm>> -> memref<1x128xi32, #tpu.memory_space<hbm>>
        %dma_wait3A_113 = tpu.memref_squeeze %dma_wait3A_112 : memref<1x128xi32, #tpu.memory_space<hbm>> -> memref<128xi32, #tpu.memory_space<hbm>>
        tpu.wait_dma2 semaphore(%arg21 : memref<!tpu.dma_semaphore, #tpu.memory_space<semaphore_mem>>) src(%dma_wait3A_113 : memref<128xi32, #tpu.memory_space<hbm>>) dst(%arg8 : memref<128xi32, #tpu.memory_space<vmem>>)
        %dma_wait3A_114 = arith.constant 1 : i32
        %dma_wait3A_115 = arith.constant 0 : i32
        %dma_wait3A_116 = tpu.memref_slice %arg4[%dma_wait3A_114, %dma_wait3A_115] : memref<2x320000xi32, #tpu.memory_space<hbm>> -> memref<1x128xi32, #tpu.memory_space<hbm>>
        %dma_wait3A_117 = tpu.memref_squeeze %dma_wait3A_116 : memref<1x128xi32, #tpu.memory_space<hbm>> -> memref<128xi32, #tpu.memory_space<hbm>>
        %dma_wait3A_118 = arith.constant 0 : i32
        %dma_wait3A_119 = tpu.memref_slice %arg4[%dma_wait3A_114, %dma_wait3A_118] : memref<2x320000xi32, #tpu.memory_space<hbm>> -> memref<1x128xi32, #tpu.memory_space<hbm>>
        %dma_wait3A_120 = tpu.memref_squeeze %dma_wait3A_119 : memref<1x128xi32, #tpu.memory_space<hbm>> -> memref<128xi32, #tpu.memory_space<hbm>>
        tpu.wait_dma2 semaphore(%arg21 : memref<!tpu.dma_semaphore, #tpu.memory_space<semaphore_mem>>) src(%dma_wait3A_120 : memref<128xi32, #tpu.memory_space<hbm>>) dst(%arg10 : memref<128xi32, #tpu.memory_space<vmem>>)
        %dma_wait3A_121 = arith.constant 0 : i32
        %dma_wait3A_122 = arith.constant 0 : i32
        %dma_wait3A_123 = tpu.memref_slice %arg3[%dma_wait3A_121, %dma_wait3A_122] : memref<40000x128xf32, #tpu.memory_space<hbm>> -> memref<16x128xf32, #tpu.memory_space<hbm>>
        %dma_wait3A_124 = arith.constant 0 : i32
        %dma_wait3A_125 = arith.constant 0 : i32
        %dma_wait3A_126 = tpu.memref_slice %arg3[%dma_wait3A_124, %dma_wait3A_125] : memref<40000x128xf32, #tpu.memory_space<hbm>> -> memref<16x128xf32, #tpu.memory_space<hbm>>
        tpu.wait_dma2 semaphore(%arg21 : memref<!tpu.dma_semaphore, #tpu.memory_space<semaphore_mem>>) src(%dma_wait3A_126 : memref<16x128xf32, #tpu.memory_space<hbm>>) dst(%arg12 : memref<16x128xf32, #tpu.memory_space<vmem>>)
        %dma_start3A = arith.constant 0 : i32
        %dma_start3A_127 = arith.constant 0 : i32
        %dma_start3A_128 = tpu.memref_slice %arg2[%dma_start3A, %dma_start3A_127] : memref<10000x128xf32, #tpu.memory_space<hbm>> -> memref<10000x128xf32, #tpu.memory_space<hbm>>
        tpu.enqueue_indirect_dma source(%dma_start3A_128 : memref<10000x128xf32, #tpu.memory_space<hbm>>) target(%arg14 : memref<128x128xf32, #tpu.memory_space<vmem>>) offsets(%arg8 : memref<128xi32, #tpu.memory_space<vmem>>) semaphore(%arg23 : memref<!tpu.dma_semaphore, #tpu.memory_space<semaphore_mem>>)
        %dma_start3A_129 = arith.constant 0 : i32
        %dma_start3A_130 = arith.constant 0 : i32
        %dma_start3A_131 = tpu.memref_slice %arg2[%dma_start3A_129, %dma_start3A_130] : memref<10000x128xf32, #tpu.memory_space<hbm>> -> memref<10000x128xf32, #tpu.memory_space<hbm>>
        tpu.enqueue_indirect_dma source(%dma_start3A_131 : memref<10000x128xf32, #tpu.memory_space<hbm>>) target(%arg16 : memref<128x128xf32, #tpu.memory_space<vmem>>) offsets(%arg10 : memref<128xi32, #tpu.memory_space<vmem>>) semaphore(%arg23 : memref<!tpu.dma_semaphore, #tpu.memory_space<semaphore_mem>>)
      } else {
      }
      %add3A_63 = arith.constant 0 : i32
      %add3A_64 = arith.addi %mul3A_42, %add3A_63 : i32
      %mul3A_65 = arith.constant 32 : i32
      %mul3A_66 = arith.muli %add3A_64, %mul3A_65 : i32
      %add3A_67 = arith.addi %mul3A_66, %add3A : i32
      %mul3A_68 = arith.constant 128 : i32
      %mul3A_69 = arith.muli %add3A_67, %mul3A_68 : i32
      %lt3A_70 = arith.constant 2500 : i32
      %lt3A_71 = arith.cmpi slt, %add3A_67, %lt3A_70 : i32
      %convert_element_type3A_72 = arith.extui %lt3A_71 : i1 to i32
      %cond3A_73 = arith.constant 0 : i32
      %cond3A_74 = arith.cmpi ne, %convert_element_type3A_72, %cond3A_73 : i32
      scf.if %cond3A_74 {
        %dma_wait3A_107 = arith.constant 0 : i32
        %dma_wait3A_108 = arith.constant 0 : i32
        %dma_wait3A_109 = tpu.memref_slice %arg2[%dma_wait3A_107, %dma_wait3A_108] : memref<10000x128xf32, #tpu.memory_space<hbm>> -> memref<10000x128xf32, #tpu.memory_space<hbm>>
        tpu.wait_indirect_dma semaphore(%arg22 : memref<!tpu.dma_semaphore, #tpu.memory_space<semaphore_mem>>) src(%dma_wait3A_109 : memref<10000x128xf32, #tpu.memory_space<hbm>>) dst(%arg13 : memref<128x128xf32, #tpu.memory_space<vmem>>)
        %dma_wait3A_110 = arith.constant 0 : i32
        %dma_wait3A_111 = arith.constant 0 : i32
        %dma_wait3A_112 = tpu.memref_slice %arg2[%dma_wait3A_110, %dma_wait3A_111] : memref<10000x128xf32, #tpu.memory_space<hbm>> -> memref<10000x128xf32, #tpu.memory_space<hbm>>
        tpu.wait_indirect_dma semaphore(%arg22 : memref<!tpu.dma_semaphore, #tpu.memory_space<semaphore_mem>>) src(%dma_wait3A_112 : memref<10000x128xf32, #tpu.memory_space<hbm>>) dst(%arg15 : memref<128x128xf32, #tpu.memory_space<vmem>>)
        %ge3A = arith.constant 2 : i32
        %ge3A_113 = arith.cmpi sge, %add3A_64, %ge3A : i32
        %convert_element_type3A_114 = arith.extui %ge3A_113 : i1 to i32
        %cond3A_115 = arith.constant 0 : i32
        %cond3A_116 = arith.cmpi ne, %convert_element_type3A_114, %cond3A_115 : i32
        scf.if %cond3A_116 {
          %dma_wait3A_149 = arith.constant 0 : i32
          %dma_wait3A_150 = arith.constant 0 : i32
          %dma_wait3A_151 = tpu.memref_slice %arg5[%dma_wait3A_149, %dma_wait3A_150] : memref<40000x128xf32, #tpu.memory_space<hbm>> -> memref<16x128xf32, #tpu.memory_space<hbm>>
          %dma_wait3A_152 = arith.constant 0 : i32
          %dma_wait3A_153 = arith.constant 0 : i32
          %dma_wait3A_154 = tpu.memref_slice %arg5[%dma_wait3A_152, %dma_wait3A_153] : memref<40000x128xf32, #tpu.memory_space<hbm>> -> memref<16x128xf32, #tpu.memory_space<hbm>>
          tpu.wait_dma2 semaphore(%arg24 : memref<!tpu.dma_semaphore, #tpu.memory_space<semaphore_mem>>) src(%arg17 : memref<16x128xf32, #tpu.memory_space<vmem>>) dst(%dma_wait3A_154 : memref<16x128xf32, #tpu.memory_space<hbm>>)
        } else {
        }
        %get3A = arith.constant 0 : i32
        %get3A_117 = arith.index_cast %get3A : i32 to index
        %get3A_118 = arith.constant 0 : index
        %get3A_119 = tpu.vector_load %arg19[%get3A_117, %get3A_118] {strides = array<i32>} : memref<2x16xf32, #tpu.memory_space<vmem>>, vector<1x16xf32>,
        %get3A_120 = vector.shape_cast %get3A_119 : vector<1x16xf32> to vector<16xf32>
        %get3A_121 = arith.constant 1 : i32
        %get3A_122 = arith.index_cast %get3A_121 : i32 to index
        %get3A_123 = arith.constant 0 : index
        %get3A_124 = tpu.vector_load %arg19[%get3A_122, %get3A_123] {strides = array<i32>} : memref<2x16xf32, #tpu.memory_space<vmem>>, vector<1x16xf32>,
        %get3A_125 = vector.shape_cast %get3A_124 : vector<1x16xf32> to vector<16xf32>
        %scan3A_126 = arith.constant 0 : i32
        %scan3A_127 = arith.constant 128 : i32
        %scan3A_128 = arith.addi %scan3A_126, %scan3A_127 : i32
        %scan3A_129 = arith.constant 1 : i32
        %scan3A_130:2 = scf.for %scan3A_149 = %scan3A_126 to %scan3A_128 step %scan3A_129 iter_args(%scan3A_150 = %get3A_120, %scan3A_151 = %get3A_125) -> (vector<16xf32>, vector<16xf32>)  : i32 {
          %jit3A = arith.constant 8 : i32
          %div3A = arith.divsi %scan3A_149, %jit3A : i32
          %sign3A = arith.constant 0 : i32
          %sign3A_152 = arith.cmpi sgt, %scan3A_149, %sign3A : i32
          %sign3A_153 = arith.extui %sign3A_152 : i1 to i32
          %sign3A_154 = arith.constant 0 : i32
          %sign3A_155 = arith.cmpi slt, %scan3A_149, %sign3A_154 : i32
          %sign3A_156 = arith.extui %sign3A_155 : i1 to i32
          %sign3A_157 = arith.subi %sign3A_153, %sign3A_156 : i32
          %sign3A_158 = arith.constant 0 : i32
          %sign3A_159 = arith.cmpi sgt, %jit3A, %sign3A_158 : i32
          %sign3A_160 = arith.extui %sign3A_159 : i1 to i32
          %sign3A_161 = arith.constant 0 : i32
          %sign3A_162 = arith.cmpi slt, %jit3A, %sign3A_161 : i32
          %sign3A_163 = arith.extui %sign3A_162 : i1 to i32
          %sign3A_164 = arith.subi %sign3A_160, %sign3A_163 : i32
          %ne3A = arith.cmpi ne, %sign3A_157, %sign3A_164 : i32
          %rem3A = arith.remsi %scan3A_149, %jit3A : i32
          %ne3A_165 = arith.constant 0 : i32
          %ne3A_166 = arith.cmpi ne, %rem3A, %ne3A_165 : i32
          %and3A = arith.andi %ne3A, %ne3A_166 : i1
          %sub3A = arith.constant 1 : i32
          %sub3A_167 = arith.subi %div3A, %sub3A : i32
          %select_n3A = arith.select %and3A, %sub3A_167, %div3A : i32
          %jit3A_168 = arith.constant 8 : i32
          %eq3A = arith.constant 0 : i32
          %eq3A_169 = arith.cmpi eq, %jit3A_168, %eq3A : i32
          %jit3A_170 = arith.constant 1 : i32
          %select_n3A_171 = arith.select %eq3A_169, %jit3A_170, %jit3A_168 : i32
          %rem3A_172 = arith.remsi %scan3A_149, %select_n3A_171 : i32
          %ne3A_173 = arith.constant 0 : i32
          %ne3A_174 = arith.cmpi ne, %rem3A_172, %ne3A_173 : i32
          %lt3A_175 = arith.constant 0 : i32
          %lt3A_176 = arith.cmpi slt, %rem3A_172, %lt3A_175 : i32
          %lt3A_177 = arith.constant 0 : i32
          %lt3A_178 = arith.cmpi slt, %select_n3A_171, %lt3A_177 : i32
          %ne3A_179 = arith.xori %lt3A_176, %lt3A_178 : i1
          %and3A_180 = arith.andi %ne3A_179, %ne3A_174 : i1
          %add3A_181 = arith.addi %rem3A_172, %select_n3A_171 : i32
          %select_n3A_182 = arith.select %and3A_180, %add3A_181, %rem3A_172 : i32
          %mul3A_183 = arith.constant 16 : i32
          %mul3A_184 = arith.muli %select_n3A_182, %mul3A_183 : i32
          %get3A_185 = arith.index_cast %select_n3A : i32 to index
          %get3A_186 = arith.index_cast %mul3A_184 : i32 to index
          %get3A_187 = tpu.vector_load %arg11[%get3A_185, %get3A_186] {strides = array<i32>} : memref<16x128xf32, #tpu.memory_space<vmem>>, vector<1x16xf32>,
          %get3A_188 = vector.shape_cast %get3A_187 : vector<1x16xf32> to vector<16xf32>
          %get3A_189 = arith.index_cast %scan3A_149 : i32 to index
          %get3A_190 = arith.constant 0 : index
          %get3A_191 = tpu.vector_load %arg13[%get3A_189, %get3A_190] {strides = array<i32>} : memref<128x128xf32, #tpu.memory_space<vmem>>, vector<1x16xf32>,
          %get3A_192 = vector.shape_cast %get3A_191 : vector<1x16xf32> to vector<16xf32>
          %add3A_193 = arith.addf %get3A_188, %get3A_192 : vector<16xf32>
          %get3A_194 = arith.index_cast %scan3A_149 : i32 to index
          %get3A_195 = arith.constant 16 : index
          %get3A_196 = tpu.vector_load %arg15[%get3A_194, %get3A_195] {strides = array<i32>} : memref<128x128xf32, #tpu.memory_space<vmem>>, vector<1x16xf32>,
          %get3A_197 = vector.shape_cast %get3A_196 : vector<1x16xf32> to vector<16xf32>
          %add3A_198 = arith.addf %add3A_193, %get3A_197 : vector<16xf32>
          %swap3A_199 = arith.index_cast %select_n3A : i32 to index
          %swap3A_200 = arith.index_cast %mul3A_184 : i32 to index
          %swap3A_201 = tpu.vector_load %arg17[%swap3A_199, %swap3A_200] {strides = array<i32>} : memref<16x128xf32, #tpu.memory_space<vmem>>, vector<1x16xf32>,
          %swap3A_202 = vector.shape_cast %swap3A_201 : vector<1x16xf32> to vector<16xf32>
          %swap3A_203 = vector.shape_cast %add3A_198 : vector<16xf32> to vector<1x16xf32>
          tpu.vector_store %arg17[%swap3A_199, %swap3A_200], %swap3A_203 {strides = array<i32>} : memref<16x128xf32, #tpu.memory_space<vmem>>, vector<1x16xf32>,
          %add3A_204 = arith.addf %scan3A_150, %add3A_198 : vector<16xf32>
          %mul3A_205 = arith.mulf %add3A_198, %add3A_198 : vector<16xf32>
          %add3A_206 = arith.addf %scan3A_151, %mul3A_205 : vector<16xf32>
          scf.yield %add3A_204, %add3A_206 : vector<16xf32>, vector<16xf32>
        }
        %scan3A_131 = arith.constant 128 : i32
        %swap3A_132 = arith.constant 0 : i32
        %swap3A_133 = arith.index_cast %swap3A_132 : i32 to index
        %swap3A_134 = arith.constant 0 : index
        %swap3A_135 = tpu.vector_load %arg19[%swap3A_133, %swap3A_134] {strides = array<i32>} : memref<2x16xf32, #tpu.memory_space<vmem>>, vector<1x16xf32>,
        %swap3A_136 = vector.shape_cast %swap3A_135 : vector<1x16xf32> to vector<16xf32>
        %swap3A_137 = vector.shape_cast %scan3A_130#0 : vector<16xf32> to vector<1x16xf32>
        tpu.vector_store %arg19[%swap3A_133, %swap3A_134], %swap3A_137 {strides = array<i32>} : memref<2x16xf32, #tpu.memory_space<vmem>>, vector<1x16xf32>,
        %swap3A_138 = arith.constant 1 : i32
        %swap3A_139 = arith.index_cast %swap3A_138 : i32 to index
        %swap3A_140 = arith.constant 0 : index
        %swap3A_141 = tpu.vector_load %arg19[%swap3A_139, %swap3A_140] {strides = array<i32>} : memref<2x16xf32, #tpu.memory_space<vmem>>, vector<1x16xf32>,
        %swap3A_142 = vector.shape_cast %swap3A_141 : vector<1x16xf32> to vector<16xf32>
        %swap3A_143 = vector.shape_cast %scan3A_130#1 : vector<16xf32> to vector<1x16xf32>
        tpu.vector_store %arg19[%swap3A_139, %swap3A_140], %swap3A_143 {strides = array<i32>} : memref<2x16xf32, #tpu.memory_space<vmem>>, vector<1x16xf32>,
        %mul3A_144 = arith.constant 16 : i32
        %mul3A_145 = arith.muli %add3A_67, %mul3A_144 : i32
        %dma_start3A = arith.constant 0 : i32
        %dma_start3A_146 = tpu.memref_slice %arg5[%mul3A_145, %dma_start3A] : memref<40000x128xf32, #tpu.memory_space<hbm>> -> memref<16x128xf32, #tpu.memory_space<hbm>>
        %dma_start3A_147 = arith.constant 0 : i32
        %dma_start3A_148 = tpu.memref_slice %arg5[%mul3A_145, %dma_start3A_147] : memref<40000x128xf32, #tpu.memory_space<hbm>> -> memref<16x128xf32, #tpu.memory_space<hbm>>
        tpu.enqueue_dma source(%arg17 : memref<16x128xf32, #tpu.memory_space<vmem>>) target(%dma_start3A_148 : memref<16x128xf32, #tpu.memory_space<hbm>>) target_semaphore(%arg24 : memref<!tpu.dma_semaphore, #tpu.memory_space<semaphore_mem>>)
      } else {
      }
      %add3A_75 = arith.constant 2 : i32
      %add3A_76 = arith.addi %add3A_64, %add3A_75 : i32
      %mul3A_77 = arith.constant 32 : i32
      %mul3A_78 = arith.muli %add3A_76, %mul3A_77 : i32
      %add3A_79 = arith.addi %mul3A_78, %add3A : i32
      %lt3A_80 = arith.constant 2500 : i32
      %lt3A_81 = arith.cmpi slt, %add3A_79, %lt3A_80 : i32
      %convert_element_type3A_82 = arith.extui %lt3A_81 : i1 to i32
      %cond3A_83 = arith.constant 0 : i32
      %cond3A_84 = arith.cmpi ne, %convert_element_type3A_82, %cond3A_83 : i32
      scf.if %cond3A_84 {
        %mul3A_107 = arith.constant 128 : i32
        %mul3A_108 = arith.muli %add3A_79, %mul3A_107 : i32
        %dma_start3A = arith.constant 0 : i32
        %dma_start3A_109 = tpu.memref_slice %arg4[%dma_start3A, %mul3A_108] : memref<2x320000xi32, #tpu.memory_space<hbm>> -> memref<1x128xi32, #tpu.memory_space<hbm>>
        %dma_start3A_110 = tpu.memref_squeeze %dma_start3A_109 : memref<1x128xi32, #tpu.memory_space<hbm>> -> memref<128xi32, #tpu.memory_space<hbm>>
        %dma_start3A_111 = tpu.memref_slice %arg4[%dma_start3A, %mul3A_108] : memref<2x320000xi32, #tpu.memory_space<hbm>> -> memref<1x128xi32, #tpu.memory_space<hbm>>
        %dma_start3A_112 = tpu.memref_squeeze %dma_start3A_111 : memref<1x128xi32, #tpu.memory_space<hbm>> -> memref<128xi32, #tpu.memory_space<hbm>>
        tpu.enqueue_dma source(%dma_start3A_112 : memref<128xi32, #tpu.memory_space<hbm>>) target(%arg7 : memref<128xi32, #tpu.memory_space<vmem>>) target_semaphore(%arg20 : memref<!tpu.dma_semaphore, #tpu.memory_space<semaphore_mem>>)
        %dma_start3A_113 = arith.constant 1 : i32
        %dma_start3A_114 = tpu.memref_slice %arg4[%dma_start3A_113, %mul3A_108] : memref<2x320000xi32, #tpu.memory_space<hbm>> -> memref<1x128xi32, #tpu.memory_space<hbm>>
        %dma_start3A_115 = tpu.memref_squeeze %dma_start3A_114 : memref<1x128xi32, #tpu.memory_space<hbm>> -> memref<128xi32, #tpu.memory_space<hbm>>
        %dma_start3A_116 = tpu.memref_slice %arg4[%dma_start3A_113, %mul3A_108] : memref<2x320000xi32, #tpu.memory_space<hbm>> -> memref<1x128xi32, #tpu.memory_space<hbm>>
        %dma_start3A_117 = tpu.memref_squeeze %dma_start3A_116 : memref<1x128xi32, #tpu.memory_space<hbm>> -> memref<128xi32, #tpu.memory_space<hbm>>
        tpu.enqueue_dma source(%dma_start3A_117 : memref<128xi32, #tpu.memory_space<hbm>>) target(%arg9 : memref<128xi32, #tpu.memory_space<vmem>>) target_semaphore(%arg20 : memref<!tpu.dma_semaphore, #tpu.memory_space<semaphore_mem>>)
        %mul3A_118 = arith.constant 16 : i32
        %mul3A_119 = arith.muli %add3A_79, %mul3A_118 : i32
        %dma_start3A_120 = arith.constant 0 : i32
        %dma_start3A_121 = tpu.memref_slice %arg3[%mul3A_119, %dma_start3A_120] : memref<40000x128xf32, #tpu.memory_space<hbm>> -> memref<16x128xf32, #tpu.memory_space<hbm>>
        %dma_start3A_122 = arith.constant 0 : i32
        %dma_start3A_123 = tpu.memref_slice %arg3[%mul3A_119, %dma_start3A_122] : memref<40000x128xf32, #tpu.memory_space<hbm>> -> memref<16x128xf32, #tpu.memory_space<hbm>>
        tpu.enqueue_dma source(%dma_start3A_123 : memref<16x128xf32, #tpu.memory_space<hbm>>) target(%arg11 : memref<16x128xf32, #tpu.memory_space<vmem>>) target_semaphore(%arg20 : memref<!tpu.dma_semaphore, #tpu.memory_space<semaphore_mem>>)
      } else {
      }
      %add3A_85 = arith.constant 1 : i32
      %add3A_86 = arith.addi %mul3A_42, %add3A_85 : i32
      %mul3A_87 = arith.constant 32 : i32
      %mul3A_88 = arith.muli %add3A_86, %mul3A_87 : i32
      %add3A_89 = arith.addi %mul3A_88, %add3A : i32
      %mul3A_90 = arith.constant 128 : i32
      %mul3A_91 = arith.muli %add3A_89, %mul3A_90 : i32
      %lt3A_92 = arith.constant 2500 : i32
      %lt3A_93 = arith.cmpi slt, %add3A_89, %lt3A_92 : i32
      %convert_element_type3A_94 = arith.extui %lt3A_93 : i1 to i32
      %cond3A_95 = arith.constant 0 : i32
      %cond3A_96 = arith.cmpi ne, %convert_element_type3A_94, %cond3A_95 : i32
      scf.if %cond3A_96 {
        %dma_wait3A_107 = arith.constant 0 : i32
        %dma_wait3A_108 = arith.constant 0 : i32
        %dma_wait3A_109 = tpu.memref_slice %arg2[%dma_wait3A_107, %dma_wait3A_108] : memref<10000x128xf32, #tpu.memory_space<hbm>> -> memref<10000x128xf32, #tpu.memory_space<hbm>>
        tpu.wait_indirect_dma semaphore(%arg23 : memref<!tpu.dma_semaphore, #tpu.memory_space<semaphore_mem>>) src(%dma_wait3A_109 : memref<10000x128xf32, #tpu.memory_space<hbm>>) dst(%arg14 : memref<128x128xf32, #tpu.memory_space<vmem>>)
        %dma_wait3A_110 = arith.constant 0 : i32
        %dma_wait3A_111 = arith.constant 0 : i32
        %dma_wait3A_112 = tpu.memref_slice %arg2[%dma_wait3A_110, %dma_wait3A_111] : memref<10000x128xf32, #tpu.memory_space<hbm>> -> memref<10000x128xf32, #tpu.memory_space<hbm>>
        tpu.wait_indirect_dma semaphore(%arg23 : memref<!tpu.dma_semaphore, #tpu.memory_space<semaphore_mem>>) src(%dma_wait3A_112 : memref<10000x128xf32, #tpu.memory_space<hbm>>) dst(%arg16 : memref<128x128xf32, #tpu.memory_space<vmem>>)
        %ge3A = arith.constant 2 : i32
        %ge3A_113 = arith.cmpi sge, %add3A_86, %ge3A : i32
        %convert_element_type3A_114 = arith.extui %ge3A_113 : i1 to i32
        %cond3A_115 = arith.constant 0 : i32
        %cond3A_116 = arith.cmpi ne, %convert_element_type3A_114, %cond3A_115 : i32
        scf.if %cond3A_116 {
          %dma_wait3A_149 = arith.constant 0 : i32
          %dma_wait3A_150 = arith.constant 0 : i32
          %dma_wait3A_151 = tpu.memref_slice %arg5[%dma_wait3A_149, %dma_wait3A_150] : memref<40000x128xf32, #tpu.memory_space<hbm>> -> memref<16x128xf32, #tpu.memory_space<hbm>>
          %dma_wait3A_152 = arith.constant 0 : i32
          %dma_wait3A_153 = arith.constant 0 : i32
          %dma_wait3A_154 = tpu.memref_slice %arg5[%dma_wait3A_152, %dma_wait3A_153] : memref<40000x128xf32, #tpu.memory_space<hbm>> -> memref<16x128xf32, #tpu.memory_space<hbm>>
          tpu.wait_dma2 semaphore(%arg25 : memref<!tpu.dma_semaphore, #tpu.memory_space<semaphore_mem>>) src(%arg18 : memref<16x128xf32, #tpu.memory_space<vmem>>) dst(%dma_wait3A_154 : memref<16x128xf32, #tpu.memory_space<hbm>>)
        } else {
        }
        %get3A = arith.constant 0 : i32
        %get3A_117 = arith.index_cast %get3A : i32 to index
        %get3A_118 = arith.constant 0 : index
        %get3A_119 = tpu.vector_load %arg19[%get3A_117, %get3A_118] {strides = array<i32>} : memref<2x16xf32, #tpu.memory_space<vmem>>, vector<1x16xf32>,
        %get3A_120 = vector.shape_cast %get3A_119 : vector<1x16xf32> to vector<16xf32>
        %get3A_121 = arith.constant 1 : i32
        %get3A_122 = arith.index_cast %get3A_121 : i32 to index
        %get3A_123 = arith.constant 0 : index
        %get3A_124 = tpu.vector_load %arg19[%get3A_122, %get3A_123] {strides = array<i32>} : memref<2x16xf32, #tpu.memory_space<vmem>>, vector<1x16xf32>,
        %get3A_125 = vector.shape_cast %get3A_124 : vector<1x16xf32> to vector<16xf32>
        %scan3A_126 = arith.constant 0 : i32
        %scan3A_127 = arith.constant 128 : i32
        %scan3A_128 = arith.addi %scan3A_126, %scan3A_127 : i32
        %scan3A_129 = arith.constant 1 : i32
        %scan3A_130:2 = scf.for %scan3A_149 = %scan3A_126 to %scan3A_128 step %scan3A_129 iter_args(%scan3A_150 = %get3A_120, %scan3A_151 = %get3A_125) -> (vector<16xf32>, vector<16xf32>)  : i32 {
          %jit3A = arith.constant 8 : i32
          %div3A = arith.divsi %scan3A_149, %jit3A : i32
          %sign3A = arith.constant 0 : i32
          %sign3A_152 = arith.cmpi sgt, %scan3A_149, %sign3A : i32
          %sign3A_153 = arith.extui %sign3A_152 : i1 to i32
          %sign3A_154 = arith.constant 0 : i32
          %sign3A_155 = arith.cmpi slt, %scan3A_149, %sign3A_154 : i32
          %sign3A_156 = arith.extui %sign3A_155 : i1 to i32
          %sign3A_157 = arith.subi %sign3A_153, %sign3A_156 : i32
          %sign3A_158 = arith.constant 0 : i32
          %sign3A_159 = arith.cmpi sgt, %jit3A, %sign3A_158 : i32
          %sign3A_160 = arith.extui %sign3A_159 : i1 to i32
          %sign3A_161 = arith.constant 0 : i32
          %sign3A_162 = arith.cmpi slt, %jit3A, %sign3A_161 : i32
          %sign3A_163 = arith.extui %sign3A_162 : i1 to i32
          %sign3A_164 = arith.subi %sign3A_160, %sign3A_163 : i32
          %ne3A = arith.cmpi ne, %sign3A_157, %sign3A_164 : i32
          %rem3A = arith.remsi %scan3A_149, %jit3A : i32
          %ne3A_165 = arith.constant 0 : i32
          %ne3A_166 = arith.cmpi ne, %rem3A, %ne3A_165 : i32
          %and3A = arith.andi %ne3A, %ne3A_166 : i1
          %sub3A = arith.constant 1 : i32
          %sub3A_167 = arith.subi %div3A, %sub3A : i32
          %select_n3A = arith.select %and3A, %sub3A_167, %div3A : i32
          %jit3A_168 = arith.constant 8 : i32
          %eq3A = arith.constant 0 : i32
          %eq3A_169 = arith.cmpi eq, %jit3A_168, %eq3A : i32
          %jit3A_170 = arith.constant 1 : i32
          %select_n3A_171 = arith.select %eq3A_169, %jit3A_170, %jit3A_168 : i32
          %rem3A_172 = arith.remsi %scan3A_149, %select_n3A_171 : i32
          %ne3A_173 = arith.constant 0 : i32
          %ne3A_174 = arith.cmpi ne, %rem3A_172, %ne3A_173 : i32
          %lt3A_175 = arith.constant 0 : i32
          %lt3A_176 = arith.cmpi slt, %rem3A_172, %lt3A_175 : i32
          %lt3A_177 = arith.constant 0 : i32
          %lt3A_178 = arith.cmpi slt, %select_n3A_171, %lt3A_177 : i32
          %ne3A_179 = arith.xori %lt3A_176, %lt3A_178 : i1
          %and3A_180 = arith.andi %ne3A_179, %ne3A_174 : i1
          %add3A_181 = arith.addi %rem3A_172, %select_n3A_171 : i32
          %select_n3A_182 = arith.select %and3A_180, %add3A_181, %rem3A_172 : i32
          %mul3A_183 = arith.constant 16 : i32
          %mul3A_184 = arith.muli %select_n3A_182, %mul3A_183 : i32
          %get3A_185 = arith.index_cast %select_n3A : i32 to index
          %get3A_186 = arith.index_cast %mul3A_184 : i32 to index
          %get3A_187 = tpu.vector_load %arg12[%get3A_185, %get3A_186] {strides = array<i32>} : memref<16x128xf32, #tpu.memory_space<vmem>>, vector<1x16xf32>,
          %get3A_188 = vector.shape_cast %get3A_187 : vector<1x16xf32> to vector<16xf32>
          %get3A_189 = arith.index_cast %scan3A_149 : i32 to index
          %get3A_190 = arith.constant 0 : index
          %get3A_191 = tpu.vector_load %arg14[%get3A_189, %get3A_190] {strides = array<i32>} : memref<128x128xf32, #tpu.memory_space<vmem>>, vector<1x16xf32>,
          %get3A_192 = vector.shape_cast %get3A_191 : vector<1x16xf32> to vector<16xf32>
          %add3A_193 = arith.addf %get3A_188, %get3A_192 : vector<16xf32>
          %get3A_194 = arith.index_cast %scan3A_149 : i32 to index
          %get3A_195 = arith.constant 16 : index
          %get3A_196 = tpu.vector_load %arg16[%get3A_194, %get3A_195] {strides = array<i32>} : memref<128x128xf32, #tpu.memory_space<vmem>>, vector<1x16xf32>,
          %get3A_197 = vector.shape_cast %get3A_196 : vector<1x16xf32> to vector<16xf32>
          %add3A_198 = arith.addf %add3A_193, %get3A_197 : vector<16xf32>
          %swap3A_199 = arith.index_cast %select_n3A : i32 to index
          %swap3A_200 = arith.index_cast %mul3A_184 : i32 to index
          %swap3A_201 = tpu.vector_load %arg18[%swap3A_199, %swap3A_200] {strides = array<i32>} : memref<16x128xf32, #tpu.memory_space<vmem>>, vector<1x16xf32>,
          %swap3A_202 = vector.shape_cast %swap3A_201 : vector<1x16xf32> to vector<16xf32>
          %swap3A_203 = vector.shape_cast %add3A_198 : vector<16xf32> to vector<1x16xf32>
          tpu.vector_store %arg18[%swap3A_199, %swap3A_200], %swap3A_203 {strides = array<i32>} : memref<16x128xf32, #tpu.memory_space<vmem>>, vector<1x16xf32>,
          %add3A_204 = arith.addf %scan3A_150, %add3A_198 : vector<16xf32>
          %mul3A_205 = arith.mulf %add3A_198, %add3A_198 : vector<16xf32>
          %add3A_206 = arith.addf %scan3A_151, %mul3A_205 : vector<16xf32>
          scf.yield %add3A_204, %add3A_206 : vector<16xf32>, vector<16xf32>
        }
        %scan3A_131 = arith.constant 128 : i32
        %swap3A_132 = arith.constant 0 : i32
        %swap3A_133 = arith.index_cast %swap3A_132 : i32 to index
        %swap3A_134 = arith.constant 0 : index
        %swap3A_135 = tpu.vector_load %arg19[%swap3A_133, %swap3A_134] {strides = array<i32>} : memref<2x16xf32, #tpu.memory_space<vmem>>, vector<1x16xf32>,
        %swap3A_136 = vector.shape_cast %swap3A_135 : vector<1x16xf32> to vector<16xf32>
        %swap3A_137 = vector.shape_cast %scan3A_130#0 : vector<16xf32> to vector<1x16xf32>
        tpu.vector_store %arg19[%swap3A_133, %swap3A_134], %swap3A_137 {strides = array<i32>} : memref<2x16xf32, #tpu.memory_space<vmem>>, vector<1x16xf32>,
        %swap3A_138 = arith.constant 1 : i32
        %swap3A_139 = arith.index_cast %swap3A_138 : i32 to index
        %swap3A_140 = arith.constant 0 : index
        %swap3A_141 = tpu.vector_load %arg19[%swap3A_139, %swap3A_140] {strides = array<i32>} : memref<2x16xf32, #tpu.memory_space<vmem>>, vector<1x16xf32>,
        %swap3A_142 = vector.shape_cast %swap3A_141 : vector<1x16xf32> to vector<16xf32>
        %swap3A_143 = vector.shape_cast %scan3A_130#1 : vector<16xf32> to vector<1x16xf32>
        tpu.vector_store %arg19[%swap3A_139, %swap3A_140], %swap3A_143 {strides = array<i32>} : memref<2x16xf32, #tpu.memory_space<vmem>>, vector<1x16xf32>,
        %mul3A_144 = arith.constant 16 : i32
        %mul3A_145 = arith.muli %add3A_89, %mul3A_144 : i32
        %dma_start3A = arith.constant 0 : i32
        %dma_start3A_146 = tpu.memref_slice %arg5[%mul3A_145, %dma_start3A] : memref<40000x128xf32, #tpu.memory_space<hbm>> -> memref<16x128xf32, #tpu.memory_space<hbm>>
        %dma_start3A_147 = arith.constant 0 : i32
        %dma_start3A_148 = tpu.memref_slice %arg5[%mul3A_145, %dma_start3A_147] : memref<40000x128xf32, #tpu.memory_space<hbm>> -> memref<16x128xf32, #tpu.memory_space<hbm>>
        tpu.enqueue_dma source(%arg18 : memref<16x128xf32, #tpu.memory_space<vmem>>) target(%dma_start3A_148 : memref<16x128xf32, #tpu.memory_space<hbm>>) target_semaphore(%arg25 : memref<!tpu.dma_semaphore, #tpu.memory_space<semaphore_mem>>)
      } else {
      }
      %add3A_97 = arith.constant 2 : i32
      %add3A_98 = arith.addi %add3A_86, %add3A_97 : i32
      %mul3A_99 = arith.constant 32 : i32
      %mul3A_100 = arith.muli %add3A_98, %mul3A_99 : i32
      %add3A_101 = arith.addi %mul3A_100, %add3A : i32
      %lt3A_102 = arith.constant 2500 : i32
      %lt3A_103 = arith.cmpi slt, %add3A_101, %lt3A_102 : i32
      %convert_element_type3A_104 = arith.extui %lt3A_103 : i1 to i32
      %cond3A_105 = arith.constant 0 : i32
      %cond3A_106 = arith.cmpi ne, %convert_element_type3A_104, %cond3A_105 : i32
      scf.if %cond3A_106 {
        %mul3A_107 = arith.constant 128 : i32
        %mul3A_108 = arith.muli %add3A_101, %mul3A_107 : i32
        %dma_start3A = arith.constant 0 : i32
        %dma_start3A_109 = tpu.memref_slice %arg4[%dma_start3A, %mul3A_108] : memref<2x320000xi32, #tpu.memory_space<hbm>> -> memref<1x128xi32, #tpu.memory_space<hbm>>
        %dma_start3A_110 = tpu.memref_squeeze %dma_start3A_109 : memref<1x128xi32, #tpu.memory_space<hbm>> -> memref<128xi32, #tpu.memory_space<hbm>>
        %dma_start3A_111 = tpu.memref_slice %arg4[%dma_start3A, %mul3A_108] : memref<2x320000xi32, #tpu.memory_space<hbm>> -> memref<1x128xi32, #tpu.memory_space<hbm>>
        %dma_start3A_112 = tpu.memref_squeeze %dma_start3A_111 : memref<1x128xi32, #tpu.memory_space<hbm>> -> memref<128xi32, #tpu.memory_space<hbm>>
        tpu.enqueue_dma source(%dma_start3A_112 : memref<128xi32, #tpu.memory_space<hbm>>) target(%arg8 : memref<128xi32, #tpu.memory_space<vmem>>) target_semaphore(%arg21 : memref<!tpu.dma_semaphore, #tpu.memory_space<semaphore_mem>>)
        %dma_start3A_113 = arith.constant 1 : i32
        %dma_start3A_114 = tpu.memref_slice %arg4[%dma_start3A_113, %mul3A_108] : memref<2x320000xi32, #tpu.memory_space<hbm>> -> memref<1x128xi32, #tpu.memory_space<hbm>>
        %dma_start3A_115 = tpu.memref_squeeze %dma_start3A_114 : memref<1x128xi32, #tpu.memory_space<hbm>> -> memref<128xi32, #tpu.memory_space<hbm>>
        %dma_start3A_116 = tpu.memref_slice %arg4[%dma_start3A_113, %mul3A_108] : memref<2x320000xi32, #tpu.memory_space<hbm>> -> memref<1x128xi32, #tpu.memory_space<hbm>>
        %dma_start3A_117 = tpu.memref_squeeze %dma_start3A_116 : memref<1x128xi32, #tpu.memory_space<hbm>> -> memref<128xi32, #tpu.memory_space<hbm>>
        tpu.enqueue_dma source(%dma_start3A_117 : memref<128xi32, #tpu.memory_space<hbm>>) target(%arg10 : memref<128xi32, #tpu.memory_space<vmem>>) target_semaphore(%arg21 : memref<!tpu.dma_semaphore, #tpu.memory_space<semaphore_mem>>)
        %mul3A_118 = arith.constant 16 : i32
        %mul3A_119 = arith.muli %add3A_101, %mul3A_118 : i32
        %dma_start3A_120 = arith.constant 0 : i32
        %dma_start3A_121 = tpu.memref_slice %arg3[%mul3A_119, %dma_start3A_120] : memref<40000x128xf32, #tpu.memory_space<hbm>> -> memref<16x128xf32, #tpu.memory_space<hbm>>
        %dma_start3A_122 = arith.constant 0 : i32
        %dma_start3A_123 = tpu.memref_slice %arg3[%mul3A_119, %dma_start3A_122] : memref<40000x128xf32, #tpu.memory_space<hbm>> -> memref<16x128xf32, #tpu.memory_space<hbm>>
        tpu.enqueue_dma source(%dma_start3A_123 : memref<16x128xf32, #tpu.memory_space<hbm>>) target(%arg12 : memref<16x128xf32, #tpu.memory_space<vmem>>) target_semaphore(%arg21 : memref<!tpu.dma_semaphore, #tpu.memory_space<semaphore_mem>>)
      } else {
      }
    }
    %scan3A_28 = arith.constant 40 : i32
    %dma_wait3A = arith.constant 0 : i32
    %dma_wait3A_29 = arith.constant 0 : i32
    %dma_wait3A_30 = tpu.memref_slice %arg5[%dma_wait3A, %dma_wait3A_29] : memref<40000x128xf32, #tpu.memory_space<hbm>> -> memref<16x128xf32, #tpu.memory_space<hbm>>
    %dma_wait3A_31 = arith.constant 0 : i32
    %dma_wait3A_32 = arith.constant 0 : i32
    %dma_wait3A_33 = tpu.memref_slice %arg5[%dma_wait3A_31, %dma_wait3A_32] : memref<40000x128xf32, #tpu.memory_space<hbm>> -> memref<16x128xf32, #tpu.memory_space<hbm>>
    tpu.wait_dma2 semaphore(%arg24 : memref<!tpu.dma_semaphore, #tpu.memory_space<semaphore_mem>>) src(%arg17 : memref<16x128xf32, #tpu.memory_space<vmem>>) dst(%dma_wait3A_33 : memref<16x128xf32, #tpu.memory_space<hbm>>)
    %dma_wait3A_34 = arith.constant 0 : i32
    %dma_wait3A_35 = arith.constant 0 : i32
    %dma_wait3A_36 = tpu.memref_slice %arg5[%dma_wait3A_34, %dma_wait3A_35] : memref<40000x128xf32, #tpu.memory_space<hbm>> -> memref<16x128xf32, #tpu.memory_space<hbm>>
    %dma_wait3A_37 = arith.constant 0 : i32
    %dma_wait3A_38 = arith.constant 0 : i32
    %dma_wait3A_39 = tpu.memref_slice %arg5[%dma_wait3A_37, %dma_wait3A_38] : memref<40000x128xf32, #tpu.memory_space<hbm>> -> memref<16x128xf32, #tpu.memory_space<hbm>>
    tpu.wait_dma2 semaphore(%arg25 : memref<!tpu.dma_semaphore, #tpu.memory_space<semaphore_mem>>) src(%arg18 : memref<16x128xf32, #tpu.memory_space<vmem>>) dst(%dma_wait3A_39 : memref<16x128xf32, #tpu.memory_space<hbm>>)
    "tpu.region"() ({
      %run_scoped3A = tpu.sem_alloc : memref<!tpu.dma_semaphore, #tpu.memory_space<semaphore_mem>>
      %dma_start3A = arith.constant 0 : i32
      %dma_start3A_40 = arith.constant 0 : i32
      %dma_start3A_41 = tpu.memref_slice %arg6[%add3A, %dma_start3A, %dma_start3A_40] : memref<32x8x16xf32, #tpu.memory_space<hbm>> -> memref<1x2x16xf32, #tpu.memory_space<hbm>>
      %dma_start3A_42 = tpu.memref_squeeze %dma_start3A_41 : memref<1x2x16xf32, #tpu.memory_space<hbm>> -> memref<2x16xf32, #tpu.memory_space<hbm>>
      %dma_start3A_43 = arith.constant 0 : i32
      %dma_start3A_44 = arith.constant 0 : i32
      %dma_start3A_45 = tpu.memref_slice %arg6[%add3A, %dma_start3A_43, %dma_start3A_44] : memref<32x8x16xf32, #tpu.memory_space<hbm>> -> memref<1x2x16xf32, #tpu.memory_space<hbm>>
      %dma_start3A_46 = tpu.memref_squeeze %dma_start3A_45 : memref<1x2x16xf32, #tpu.memory_space<hbm>> -> memref<2x16xf32, #tpu.memory_space<hbm>>
      tpu.enqueue_dma source(%arg19 : memref<2x16xf32, #tpu.memory_space<vmem>>) target(%dma_start3A_46 : memref<2x16xf32, #tpu.memory_space<hbm>>) target_semaphore(%run_scoped3A : memref<!tpu.dma_semaphore, #tpu.memory_space<semaphore_mem>>)
      %dma_wait3A_47 = arith.constant 0 : i32
      %dma_wait3A_48 = arith.constant 0 : i32
      %dma_wait3A_49 = tpu.memref_slice %arg6[%add3A, %dma_wait3A_47, %dma_wait3A_48] : memref<32x8x16xf32, #tpu.memory_space<hbm>> -> memref<1x2x16xf32, #tpu.memory_space<hbm>>
      %dma_wait3A_50 = tpu.memref_squeeze %dma_wait3A_49 : memref<1x2x16xf32, #tpu.memory_space<hbm>> -> memref<2x16xf32, #tpu.memory_space<hbm>>
      %dma_wait3A_51 = arith.constant 0 : i32
      %dma_wait3A_52 = arith.constant 0 : i32
      %dma_wait3A_53 = tpu.memref_slice %arg6[%add3A, %dma_wait3A_51, %dma_wait3A_52] : memref<32x8x16xf32, #tpu.memory_space<hbm>> -> memref<1x2x16xf32, #tpu.memory_space<hbm>>
      %dma_wait3A_54 = tpu.memref_squeeze %dma_wait3A_53 : memref<1x2x16xf32, #tpu.memory_space<hbm>> -> memref<2x16xf32, #tpu.memory_space<hbm>>
      tpu.wait_dma2 semaphore(%run_scoped3A : memref<!tpu.dma_semaphore, #tpu.memory_space<semaphore_mem>>) src(%arg19 : memref<2x16xf32, #tpu.memory_space<vmem>>) dst(%dma_wait3A_54 : memref<2x16xf32, #tpu.memory_space<hbm>>)
      tpu.yield
    }) : () -> ()
    return
  }
}

#map = affine_map<(d0, d1) -> (0, 0, 0)>
#map1 = affine_map<(d0, d1) -> (0, 0)>
module attributes {stable_mosaic.version = 14 : i64} {
  func.func @launch(%arg0: i32, %arg1: i32, %arg2: memref<2x320000x64xf32, #tpu.memory_space<hbm>>, %arg3: memref<10000x128xf32, #tpu.memory_space<hbm>>, %arg4: memref<2x320000xi32, #tpu.memory_space<hbm>>, %arg5: memref<10000x128xf32, #tpu.memory_space<hbm>>, %arg6: memref<2x10000x128xf32, #tpu.memory_space<hbm>>, %arg7: memref<10000x128xf32, #tpu.memory_space<vmem_shared>>, %arg8: memref<64xi32, #tpu.memory_space<vmem>>, %arg9: memref<64xi32, #tpu.memory_space<vmem>>, %arg10: memref<64xi32, #tpu.memory_space<vmem>>, %arg11: memref<64xi32, #tpu.memory_space<vmem>>, %arg12: memref<64x64xf32, #tpu.memory_space<vmem>>, %arg13: memref<64x64xf32, #tpu.memory_space<vmem>>, %arg14: memref<64x128xf32, #tpu.memory_space<vmem>>, %arg15: memref<64x128xf32, #tpu.memory_space<vmem>>, %arg16: memref<64x128xf32, #tpu.memory_space<vmem>>, %arg17: memref<64x128xf32, #tpu.memory_space<vmem>>, %arg18: memref<!tpu.dma_semaphore, #tpu.memory_space<semaphore_mem>>, %arg19: memref<!tpu.dma_semaphore, #tpu.memory_space<semaphore_mem>>, %arg20: memref<!tpu.dma_semaphore, #tpu.memory_space<semaphore_mem>>, %arg21: memref<!tpu.dma_semaphore, #tpu.memory_space<semaphore_mem>>) attributes {dimension_semantics = [#tpu.dimension_semantics<core_parallel>, #tpu.dimension_semantics<subcore_parallel>], iteration_bounds = array<i64: 2, 16>, scalar_prefetch = 0 : i64, scratch_operands = 15 : i64, tpu.core_type = #tpu.core_type<sc_vector_subcore>, window_params = [{transform_indices = #map}, {transform_indices = #map1}, {transform_indices = #map1}, {transform_indices = #map1}, {transform_indices = #map}]} {
    %mul3A = arith.constant 624 : i32
    %mul3A_0 = arith.muli %arg1, %mul3A : i32
    "tpu.region"() ({
      %run_scoped3A = tpu.sem_alloc : memref<!tpu.dma_semaphore, #tpu.memory_space<semaphore_mem>>
      %dma_start3A = arith.constant 0 : i32
      %dma_start3A_28 = tpu.memref_slice %arg7[%mul3A_0, %dma_start3A] : memref<10000x128xf32, #tpu.memory_space<vmem_shared>> -> memref<624x128xf32, #tpu.memory_space<vmem_shared>>
      %dma_start3A_29 = arith.constant 0 : i32
      %dma_start3A_30 = tpu.memref_slice %arg5[%mul3A_0, %dma_start3A_29] : memref<10000x128xf32, #tpu.memory_space<hbm>> -> memref<624x128xf32, #tpu.memory_space<hbm>>
      tpu.enqueue_dma source(%dma_start3A_30 : memref<624x128xf32, #tpu.memory_space<hbm>>) target(%dma_start3A_28 : memref<624x128xf32, #tpu.memory_space<vmem_shared>>) target_semaphore(%run_scoped3A : memref<!tpu.dma_semaphore, #tpu.memory_space<semaphore_mem>>)
      %dma_wait3A = arith.constant 0 : i32
      %dma_wait3A_31 = tpu.memref_slice %arg7[%mul3A_0, %dma_wait3A] : memref<10000x128xf32, #tpu.memory_space<vmem_shared>> -> memref<624x128xf32, #tpu.memory_space<vmem_shared>>
      %dma_wait3A_32 = arith.constant 0 : i32
      %dma_wait3A_33 = tpu.memref_slice %arg5[%mul3A_0, %dma_wait3A_32] : memref<10000x128xf32, #tpu.memory_space<hbm>> -> memref<624x128xf32, #tpu.memory_space<hbm>>
      tpu.wait_dma2 semaphore(%run_scoped3A : memref<!tpu.dma_semaphore, #tpu.memory_space<semaphore_mem>>) src(%dma_wait3A_33 : memref<624x128xf32, #tpu.memory_space<hbm>>) dst(%dma_wait3A_31 : memref<624x128xf32, #tpu.memory_space<vmem_shared>>)
      tpu.yield
    }) : () -> ()
    %eq3A = arith.constant 0 : i32
    %eq3A_1 = arith.cmpi eq, %arg1, %eq3A : i32
    %convert_element_type3A = arith.extui %eq3A_1 : i1 to i32
    %cond3A = arith.constant 0 : i32
    %cond3A_2 = arith.cmpi ne, %convert_element_type3A, %cond3A : i32
    scf.if %cond3A_2 {
      "tpu.region"() ({
        %run_scoped3A = tpu.sem_alloc : memref<!tpu.dma_semaphore, #tpu.memory_space<semaphore_mem>>
        %dma_start3A = arith.constant 9984 : i32
        %dma_start3A_28 = arith.constant 0 : i32
        %dma_start3A_29 = tpu.memref_slice %arg7[%dma_start3A, %dma_start3A_28] : memref<10000x128xf32, #tpu.memory_space<vmem_shared>> -> memref<16x128xf32, #tpu.memory_space<vmem_shared>>
        %dma_start3A_30 = arith.constant 9984 : i32
        %dma_start3A_31 = arith.constant 0 : i32
        %dma_start3A_32 = tpu.memref_slice %arg5[%dma_start3A_30, %dma_start3A_31] : memref<10000x128xf32, #tpu.memory_space<hbm>> -> memref<16x128xf32, #tpu.memory_space<hbm>>
        tpu.enqueue_dma source(%dma_start3A_32 : memref<16x128xf32, #tpu.memory_space<hbm>>) target(%dma_start3A_29 : memref<16x128xf32, #tpu.memory_space<vmem_shared>>) target_semaphore(%run_scoped3A : memref<!tpu.dma_semaphore, #tpu.memory_space<semaphore_mem>>)
        %dma_wait3A = arith.constant 9984 : i32
        %dma_wait3A_33 = arith.constant 0 : i32
        %dma_wait3A_34 = tpu.memref_slice %arg7[%dma_wait3A, %dma_wait3A_33] : memref<10000x128xf32, #tpu.memory_space<vmem_shared>> -> memref<16x128xf32, #tpu.memory_space<vmem_shared>>
        %dma_wait3A_35 = arith.constant 9984 : i32
        %dma_wait3A_36 = arith.constant 0 : i32
        %dma_wait3A_37 = tpu.memref_slice %arg5[%dma_wait3A_35, %dma_wait3A_36] : memref<10000x128xf32, #tpu.memory_space<hbm>> -> memref<16x128xf32, #tpu.memory_space<hbm>>
        tpu.wait_dma2 semaphore(%run_scoped3A : memref<!tpu.dma_semaphore, #tpu.memory_space<semaphore_mem>>) src(%dma_wait3A_37 : memref<16x128xf32, #tpu.memory_space<hbm>>) dst(%dma_wait3A_34 : memref<16x128xf32, #tpu.memory_space<vmem_shared>>)
        tpu.yield
      }) : () -> ()
    } else {
    }
    %barrier3A = arith.constant 0 : index
    tpu.barrier barrier_id(%barrier3A)
    %mul3A_3 = arith.constant 64 : i32
    %mul3A_4 = arith.muli %arg0, %mul3A_3 : i32
    %add3A = arith.constant 0 : i32
    %add3A_5 = arith.addi %add3A, %arg1 : i32
    %lt3A = arith.constant 5000 : i32
    %lt3A_6 = arith.cmpi slt, %add3A_5, %lt3A : i32
    %convert_element_type3A_7 = arith.extui %lt3A_6 : i1 to i32
    %cond3A_8 = arith.constant 0 : i32
    %cond3A_9 = arith.cmpi ne, %convert_element_type3A_7, %cond3A_8 : i32
    scf.if %cond3A_9 {
      %mul3A_28 = arith.constant 64 : i32
      %mul3A_29 = arith.muli %add3A_5, %mul3A_28 : i32
      %dma_start3A = arith.constant 0 : i32
      %dma_start3A_30 = tpu.memref_slice %arg4[%dma_start3A, %mul3A_29] : memref<2x320000xi32, #tpu.memory_space<hbm>> -> memref<1x64xi32, #tpu.memory_space<hbm>>
      %dma_start3A_31 = tpu.memref_squeeze %dma_start3A_30 : memref<1x64xi32, #tpu.memory_space<hbm>> -> memref<64xi32, #tpu.memory_space<hbm>>
      %dma_start3A_32 = tpu.memref_slice %arg4[%dma_start3A, %mul3A_29] : memref<2x320000xi32, #tpu.memory_space<hbm>> -> memref<1x64xi32, #tpu.memory_space<hbm>>
      %dma_start3A_33 = tpu.memref_squeeze %dma_start3A_32 : memref<1x64xi32, #tpu.memory_space<hbm>> -> memref<64xi32, #tpu.memory_space<hbm>>
      tpu.enqueue_dma source(%dma_start3A_33 : memref<64xi32, #tpu.memory_space<hbm>>) target(%arg8 : memref<64xi32, #tpu.memory_space<vmem>>) target_semaphore(%arg18 : memref<!tpu.dma_semaphore, #tpu.memory_space<semaphore_mem>>)
      %dma_start3A_34 = arith.constant 1 : i32
      %dma_start3A_35 = tpu.memref_slice %arg4[%dma_start3A_34, %mul3A_29] : memref<2x320000xi32, #tpu.memory_space<hbm>> -> memref<1x64xi32, #tpu.memory_space<hbm>>
      %dma_start3A_36 = tpu.memref_squeeze %dma_start3A_35 : memref<1x64xi32, #tpu.memory_space<hbm>> -> memref<64xi32, #tpu.memory_space<hbm>>
      %dma_start3A_37 = tpu.memref_slice %arg4[%dma_start3A_34, %mul3A_29] : memref<2x320000xi32, #tpu.memory_space<hbm>> -> memref<1x64xi32, #tpu.memory_space<hbm>>
      %dma_start3A_38 = tpu.memref_squeeze %dma_start3A_37 : memref<1x64xi32, #tpu.memory_space<hbm>> -> memref<64xi32, #tpu.memory_space<hbm>>
      tpu.enqueue_dma source(%dma_start3A_38 : memref<64xi32, #tpu.memory_space<hbm>>) target(%arg10 : memref<64xi32, #tpu.memory_space<vmem>>) target_semaphore(%arg18 : memref<!tpu.dma_semaphore, #tpu.memory_space<semaphore_mem>>)
      %dma_start3A_39 = arith.constant 0 : i32
      %dma_start3A_40 = tpu.memref_slice %arg2[%arg0, %mul3A_29, %dma_start3A_39] : memref<2x320000x64xf32, #tpu.memory_space<hbm>> -> memref<1x64x64xf32, #tpu.memory_space<hbm>>
      %dma_start3A_41 = tpu.memref_squeeze %dma_start3A_40 : memref<1x64x64xf32, #tpu.memory_space<hbm>> -> memref<64x64xf32, #tpu.memory_space<hbm>>
      %dma_start3A_42 = arith.constant 0 : i32
      %dma_start3A_43 = tpu.memref_slice %arg2[%arg0, %mul3A_29, %dma_start3A_42] : memref<2x320000x64xf32, #tpu.memory_space<hbm>> -> memref<1x64x64xf32, #tpu.memory_space<hbm>>
      %dma_start3A_44 = tpu.memref_squeeze %dma_start3A_43 : memref<1x64x64xf32, #tpu.memory_space<hbm>> -> memref<64x64xf32, #tpu.memory_space<hbm>>
      tpu.enqueue_dma source(%dma_start3A_44 : memref<64x64xf32, #tpu.memory_space<hbm>>) target(%arg12 : memref<64x64xf32, #tpu.memory_space<vmem>>) target_semaphore(%arg18 : memref<!tpu.dma_semaphore, #tpu.memory_space<semaphore_mem>>)
    } else {
    }
    %add3A_10 = arith.constant 16 : i32
    %add3A_11 = arith.addi %add3A_10, %arg1 : i32
    %lt3A_12 = arith.constant 5000 : i32
    %lt3A_13 = arith.cmpi slt, %add3A_11, %lt3A_12 : i32
    %convert_element_type3A_14 = arith.extui %lt3A_13 : i1 to i32
    %cond3A_15 = arith.constant 0 : i32
    %cond3A_16 = arith.cmpi ne, %convert_element_type3A_14, %cond3A_15 : i32
    scf.if %cond3A_16 {
      %mul3A_28 = arith.constant 64 : i32
      %mul3A_29 = arith.muli %add3A_11, %mul3A_28 : i32
      %dma_start3A = arith.constant 0 : i32
      %dma_start3A_30 = tpu.memref_slice %arg4[%dma_start3A, %mul3A_29] : memref<2x320000xi32, #tpu.memory_space<hbm>> -> memref<1x64xi32, #tpu.memory_space<hbm>>
      %dma_start3A_31 = tpu.memref_squeeze %dma_start3A_30 : memref<1x64xi32, #tpu.memory_space<hbm>> -> memref<64xi32, #tpu.memory_space<hbm>>
      %dma_start3A_32 = tpu.memref_slice %arg4[%dma_start3A, %mul3A_29] : memref<2x320000xi32, #tpu.memory_space<hbm>> -> memref<1x64xi32, #tpu.memory_space<hbm>>
      %dma_start3A_33 = tpu.memref_squeeze %dma_start3A_32 : memref<1x64xi32, #tpu.memory_space<hbm>> -> memref<64xi32, #tpu.memory_space<hbm>>
      tpu.enqueue_dma source(%dma_start3A_33 : memref<64xi32, #tpu.memory_space<hbm>>) target(%arg9 : memref<64xi32, #tpu.memory_space<vmem>>) target_semaphore(%arg19 : memref<!tpu.dma_semaphore, #tpu.memory_space<semaphore_mem>>)
      %dma_start3A_34 = arith.constant 1 : i32
      %dma_start3A_35 = tpu.memref_slice %arg4[%dma_start3A_34, %mul3A_29] : memref<2x320000xi32, #tpu.memory_space<hbm>> -> memref<1x64xi32, #tpu.memory_space<hbm>>
      %dma_start3A_36 = tpu.memref_squeeze %dma_start3A_35 : memref<1x64xi32, #tpu.memory_space<hbm>> -> memref<64xi32, #tpu.memory_space<hbm>>
      %dma_start3A_37 = tpu.memref_slice %arg4[%dma_start3A_34, %mul3A_29] : memref<2x320000xi32, #tpu.memory_space<hbm>> -> memref<1x64xi32, #tpu.memory_space<hbm>>
      %dma_start3A_38 = tpu.memref_squeeze %dma_start3A_37 : memref<1x64xi32, #tpu.memory_space<hbm>> -> memref<64xi32, #tpu.memory_space<hbm>>
      tpu.enqueue_dma source(%dma_start3A_38 : memref<64xi32, #tpu.memory_space<hbm>>) target(%arg11 : memref<64xi32, #tpu.memory_space<vmem>>) target_semaphore(%arg19 : memref<!tpu.dma_semaphore, #tpu.memory_space<semaphore_mem>>)
      %dma_start3A_39 = arith.constant 0 : i32
      %dma_start3A_40 = tpu.memref_slice %arg2[%arg0, %mul3A_29, %dma_start3A_39] : memref<2x320000x64xf32, #tpu.memory_space<hbm>> -> memref<1x64x64xf32, #tpu.memory_space<hbm>>
      %dma_start3A_41 = tpu.memref_squeeze %dma_start3A_40 : memref<1x64x64xf32, #tpu.memory_space<hbm>> -> memref<64x64xf32, #tpu.memory_space<hbm>>
      %dma_start3A_42 = arith.constant 0 : i32
      %dma_start3A_43 = tpu.memref_slice %arg2[%arg0, %mul3A_29, %dma_start3A_42] : memref<2x320000x64xf32, #tpu.memory_space<hbm>> -> memref<1x64x64xf32, #tpu.memory_space<hbm>>
      %dma_start3A_44 = tpu.memref_squeeze %dma_start3A_43 : memref<1x64x64xf32, #tpu.memory_space<hbm>> -> memref<64x64xf32, #tpu.memory_space<hbm>>
      tpu.enqueue_dma source(%dma_start3A_44 : memref<64x64xf32, #tpu.memory_space<hbm>>) target(%arg13 : memref<64x64xf32, #tpu.memory_space<vmem>>) target_semaphore(%arg19 : memref<!tpu.dma_semaphore, #tpu.memory_space<semaphore_mem>>)
    } else {
    }
    %scan3A = arith.constant 0 : i32
    %scan3A_17 = arith.constant 0 : i32
    %scan3A_18 = arith.constant 157 : i32
    %scan3A_19 = arith.addi %scan3A_17, %scan3A_18 : i32
    %scan3A_20 = arith.constant 1 : i32
    scf.for %scan3A_28 = %scan3A_17 to %scan3A_19 step %scan3A_20  : i32 {
      %mul3A_29 = arith.constant 2 : i32
      %mul3A_30 = arith.muli %mul3A_29, %scan3A_28 : i32
      %add3A_31 = arith.constant 0 : i32
      %add3A_32 = arith.addi %mul3A_30, %add3A_31 : i32
      %mul3A_33 = arith.constant 16 : i32
      %mul3A_34 = arith.muli %add3A_32, %mul3A_33 : i32
      %add3A_35 = arith.addi %mul3A_34, %arg1 : i32
      %lt3A_36 = arith.constant 5000 : i32
      %lt3A_37 = arith.cmpi slt, %add3A_35, %lt3A_36 : i32
      %convert_element_type3A_38 = arith.extui %lt3A_37 : i1 to i32
      %cond3A_39 = arith.constant 0 : i32
      %cond3A_40 = arith.cmpi ne, %convert_element_type3A_38, %cond3A_39 : i32
      scf.if %cond3A_40 {
        %dma_wait3A = arith.constant 0 : i32
        %dma_wait3A_91 = arith.constant 0 : i32
        %dma_wait3A_92 = tpu.memref_slice %arg4[%dma_wait3A, %dma_wait3A_91] : memref<2x320000xi32, #tpu.memory_space<hbm>> -> memref<1x64xi32, #tpu.memory_space<hbm>>
        %dma_wait3A_93 = tpu.memref_squeeze %dma_wait3A_92 : memref<1x64xi32, #tpu.memory_space<hbm>> -> memref<64xi32, #tpu.memory_space<hbm>>
        %dma_wait3A_94 = arith.constant 0 : i32
        %dma_wait3A_95 = tpu.memref_slice %arg4[%dma_wait3A, %dma_wait3A_94] : memref<2x320000xi32, #tpu.memory_space<hbm>> -> memref<1x64xi32, #tpu.memory_space<hbm>>
        %dma_wait3A_96 = tpu.memref_squeeze %dma_wait3A_95 : memref<1x64xi32, #tpu.memory_space<hbm>> -> memref<64xi32, #tpu.memory_space<hbm>>
        tpu.wait_dma2 semaphore(%arg18 : memref<!tpu.dma_semaphore, #tpu.memory_space<semaphore_mem>>) src(%dma_wait3A_96 : memref<64xi32, #tpu.memory_space<hbm>>) dst(%arg8 : memref<64xi32, #tpu.memory_space<vmem>>)
        %dma_wait3A_97 = arith.constant 1 : i32
        %dma_wait3A_98 = arith.constant 0 : i32
        %dma_wait3A_99 = tpu.memref_slice %arg4[%dma_wait3A_97, %dma_wait3A_98] : memref<2x320000xi32, #tpu.memory_space<hbm>> -> memref<1x64xi32, #tpu.memory_space<hbm>>
        %dma_wait3A_100 = tpu.memref_squeeze %dma_wait3A_99 : memref<1x64xi32, #tpu.memory_space<hbm>> -> memref<64xi32, #tpu.memory_space<hbm>>
        %dma_wait3A_101 = arith.constant 0 : i32
        %dma_wait3A_102 = tpu.memref_slice %arg4[%dma_wait3A_97, %dma_wait3A_101] : memref<2x320000xi32, #tpu.memory_space<hbm>> -> memref<1x64xi32, #tpu.memory_space<hbm>>
        %dma_wait3A_103 = tpu.memref_squeeze %dma_wait3A_102 : memref<1x64xi32, #tpu.memory_space<hbm>> -> memref<64xi32, #tpu.memory_space<hbm>>
        tpu.wait_dma2 semaphore(%arg18 : memref<!tpu.dma_semaphore, #tpu.memory_space<semaphore_mem>>) src(%dma_wait3A_103 : memref<64xi32, #tpu.memory_space<hbm>>) dst(%arg10 : memref<64xi32, #tpu.memory_space<vmem>>)
        %dma_wait3A_104 = arith.constant 0 : i32
        %dma_wait3A_105 = arith.constant 0 : i32
        %dma_wait3A_106 = tpu.memref_slice %arg2[%arg0, %dma_wait3A_104, %dma_wait3A_105] : memref<2x320000x64xf32, #tpu.memory_space<hbm>> -> memref<1x64x64xf32, #tpu.memory_space<hbm>>
        %dma_wait3A_107 = tpu.memref_squeeze %dma_wait3A_106 : memref<1x64x64xf32, #tpu.memory_space<hbm>> -> memref<64x64xf32, #tpu.memory_space<hbm>>
        %dma_wait3A_108 = arith.constant 0 : i32
        %dma_wait3A_109 = arith.constant 0 : i32
        %dma_wait3A_110 = tpu.memref_slice %arg2[%arg0, %dma_wait3A_108, %dma_wait3A_109] : memref<2x320000x64xf32, #tpu.memory_space<hbm>> -> memref<1x64x64xf32, #tpu.memory_space<hbm>>
        %dma_wait3A_111 = tpu.memref_squeeze %dma_wait3A_110 : memref<1x64x64xf32, #tpu.memory_space<hbm>> -> memref<64x64xf32, #tpu.memory_space<hbm>>
        tpu.wait_dma2 semaphore(%arg18 : memref<!tpu.dma_semaphore, #tpu.memory_space<semaphore_mem>>) src(%dma_wait3A_111 : memref<64x64xf32, #tpu.memory_space<hbm>>) dst(%arg12 : memref<64x64xf32, #tpu.memory_space<vmem>>)
        %dma_start3A = arith.constant 0 : i32
        %dma_start3A_112 = arith.constant 0 : i32
        %dma_start3A_113 = tpu.memref_slice %arg3[%dma_start3A, %dma_start3A_112] : memref<10000x128xf32, #tpu.memory_space<hbm>> -> memref<10000x128xf32, #tpu.memory_space<hbm>>
        tpu.enqueue_indirect_dma source(%dma_start3A_113 : memref<10000x128xf32, #tpu.memory_space<hbm>>) target(%arg14 : memref<64x128xf32, #tpu.memory_space<vmem>>) offsets(%arg8 : memref<64xi32, #tpu.memory_space<vmem>>) semaphore(%arg20 : memref<!tpu.dma_semaphore, #tpu.memory_space<semaphore_mem>>)
      } else {
      }
      %add3A_41 = arith.constant 1 : i32
      %add3A_42 = arith.addi %mul3A_30, %add3A_41 : i32
      %mul3A_43 = arith.constant 16 : i32
      %mul3A_44 = arith.muli %add3A_42, %mul3A_43 : i32
      %add3A_45 = arith.addi %mul3A_44, %arg1 : i32
      %lt3A_46 = arith.constant 5000 : i32
      %lt3A_47 = arith.cmpi slt, %add3A_45, %lt3A_46 : i32
      %convert_element_type3A_48 = arith.extui %lt3A_47 : i1 to i32
      %cond3A_49 = arith.constant 0 : i32
      %cond3A_50 = arith.cmpi ne, %convert_element_type3A_48, %cond3A_49 : i32
      scf.if %cond3A_50 {
        %dma_wait3A = arith.constant 0 : i32
        %dma_wait3A_91 = arith.constant 0 : i32
        %dma_wait3A_92 = tpu.memref_slice %arg4[%dma_wait3A, %dma_wait3A_91] : memref<2x320000xi32, #tpu.memory_space<hbm>> -> memref<1x64xi32, #tpu.memory_space<hbm>>
        %dma_wait3A_93 = tpu.memref_squeeze %dma_wait3A_92 : memref<1x64xi32, #tpu.memory_space<hbm>> -> memref<64xi32, #tpu.memory_space<hbm>>
        %dma_wait3A_94 = arith.constant 0 : i32
        %dma_wait3A_95 = tpu.memref_slice %arg4[%dma_wait3A, %dma_wait3A_94] : memref<2x320000xi32, #tpu.memory_space<hbm>> -> memref<1x64xi32, #tpu.memory_space<hbm>>
        %dma_wait3A_96 = tpu.memref_squeeze %dma_wait3A_95 : memref<1x64xi32, #tpu.memory_space<hbm>> -> memref<64xi32, #tpu.memory_space<hbm>>
        tpu.wait_dma2 semaphore(%arg19 : memref<!tpu.dma_semaphore, #tpu.memory_space<semaphore_mem>>) src(%dma_wait3A_96 : memref<64xi32, #tpu.memory_space<hbm>>) dst(%arg9 : memref<64xi32, #tpu.memory_space<vmem>>)
        %dma_wait3A_97 = arith.constant 1 : i32
        %dma_wait3A_98 = arith.constant 0 : i32
        %dma_wait3A_99 = tpu.memref_slice %arg4[%dma_wait3A_97, %dma_wait3A_98] : memref<2x320000xi32, #tpu.memory_space<hbm>> -> memref<1x64xi32, #tpu.memory_space<hbm>>
        %dma_wait3A_100 = tpu.memref_squeeze %dma_wait3A_99 : memref<1x64xi32, #tpu.memory_space<hbm>> -> memref<64xi32, #tpu.memory_space<hbm>>
        %dma_wait3A_101 = arith.constant 0 : i32
        %dma_wait3A_102 = tpu.memref_slice %arg4[%dma_wait3A_97, %dma_wait3A_101] : memref<2x320000xi32, #tpu.memory_space<hbm>> -> memref<1x64xi32, #tpu.memory_space<hbm>>
        %dma_wait3A_103 = tpu.memref_squeeze %dma_wait3A_102 : memref<1x64xi32, #tpu.memory_space<hbm>> -> memref<64xi32, #tpu.memory_space<hbm>>
        tpu.wait_dma2 semaphore(%arg19 : memref<!tpu.dma_semaphore, #tpu.memory_space<semaphore_mem>>) src(%dma_wait3A_103 : memref<64xi32, #tpu.memory_space<hbm>>) dst(%arg11 : memref<64xi32, #tpu.memory_space<vmem>>)
        %dma_wait3A_104 = arith.constant 0 : i32
        %dma_wait3A_105 = arith.constant 0 : i32
        %dma_wait3A_106 = tpu.memref_slice %arg2[%arg0, %dma_wait3A_104, %dma_wait3A_105] : memref<2x320000x64xf32, #tpu.memory_space<hbm>> -> memref<1x64x64xf32, #tpu.memory_space<hbm>>
        %dma_wait3A_107 = tpu.memref_squeeze %dma_wait3A_106 : memref<1x64x64xf32, #tpu.memory_space<hbm>> -> memref<64x64xf32, #tpu.memory_space<hbm>>
        %dma_wait3A_108 = arith.constant 0 : i32
        %dma_wait3A_109 = arith.constant 0 : i32
        %dma_wait3A_110 = tpu.memref_slice %arg2[%arg0, %dma_wait3A_108, %dma_wait3A_109] : memref<2x320000x64xf32, #tpu.memory_space<hbm>> -> memref<1x64x64xf32, #tpu.memory_space<hbm>>
        %dma_wait3A_111 = tpu.memref_squeeze %dma_wait3A_110 : memref<1x64x64xf32, #tpu.memory_space<hbm>> -> memref<64x64xf32, #tpu.memory_space<hbm>>
        tpu.wait_dma2 semaphore(%arg19 : memref<!tpu.dma_semaphore, #tpu.memory_space<semaphore_mem>>) src(%dma_wait3A_111 : memref<64x64xf32, #tpu.memory_space<hbm>>) dst(%arg13 : memref<64x64xf32, #tpu.memory_space<vmem>>)
        %dma_start3A = arith.constant 0 : i32
        %dma_start3A_112 = arith.constant 0 : i32
        %dma_start3A_113 = tpu.memref_slice %arg3[%dma_start3A, %dma_start3A_112] : memref<10000x128xf32, #tpu.memory_space<hbm>> -> memref<10000x128xf32, #tpu.memory_space<hbm>>
        tpu.enqueue_indirect_dma source(%dma_start3A_113 : memref<10000x128xf32, #tpu.memory_space<hbm>>) target(%arg15 : memref<64x128xf32, #tpu.memory_space<vmem>>) offsets(%arg9 : memref<64xi32, #tpu.memory_space<vmem>>) semaphore(%arg21 : memref<!tpu.dma_semaphore, #tpu.memory_space<semaphore_mem>>)
      } else {
      }
      %add3A_51 = arith.constant 0 : i32
      %add3A_52 = arith.addi %mul3A_30, %add3A_51 : i32
      %mul3A_53 = arith.constant 16 : i32
      %mul3A_54 = arith.muli %add3A_52, %mul3A_53 : i32
      %add3A_55 = arith.addi %mul3A_54, %arg1 : i32
      %lt3A_56 = arith.constant 5000 : i32
      %lt3A_57 = arith.cmpi slt, %add3A_55, %lt3A_56 : i32
      %convert_element_type3A_58 = arith.extui %lt3A_57 : i1 to i32
      %cond3A_59 = arith.constant 0 : i32
      %cond3A_60 = arith.cmpi ne, %convert_element_type3A_58, %cond3A_59 : i32
      scf.if %cond3A_60 {
        %dma_wait3A = arith.constant 0 : i32
        %dma_wait3A_91 = arith.constant 0 : i32
        %dma_wait3A_92 = tpu.memref_slice %arg3[%dma_wait3A, %dma_wait3A_91] : memref<10000x128xf32, #tpu.memory_space<hbm>> -> memref<10000x128xf32, #tpu.memory_space<hbm>>
        tpu.wait_indirect_dma semaphore(%arg20 : memref<!tpu.dma_semaphore, #tpu.memory_space<semaphore_mem>>) src(%dma_wait3A_92 : memref<10000x128xf32, #tpu.memory_space<hbm>>) dst(%arg14 : memref<64x128xf32, #tpu.memory_space<vmem>>)
        %scan3A_93 = arith.constant 0 : i32
        %scan3A_94 = arith.constant 0 : i32
        %scan3A_95 = arith.constant 64 : i32
        %scan3A_96 = arith.addi %scan3A_94, %scan3A_95 : i32
        %scan3A_97 = arith.constant 1 : i32
        scf.for %scan3A_99 = %scan3A_94 to %scan3A_96 step %scan3A_97  : i32 {
          %add3A_100 = arith.constant 0 : i32
          %add3A_101 = arith.addi %mul3A_4, %add3A_100 : i32
          %get3A = arith.index_cast %scan3A_99 : i32 to index
          %get3A_102 = arith.constant 0 : index
          %get3A_103 = tpu.vector_load %arg12[%get3A, %get3A_102] {strides = array<i32>} : memref<64x64xf32, #tpu.memory_space<vmem>>, vector<1x16xf32>,
          %get3A_104 = vector.shape_cast %get3A_103 : vector<1x16xf32> to vector<16xf32>
          %get3A_105 = arith.index_cast %scan3A_99 : i32 to index
          %get3A_106 = arith.index_cast %add3A_101 : i32 to index
          %get3A_107 = tpu.vector_load %arg14[%get3A_105, %get3A_106] {strides = array<i32>} : memref<64x128xf32, #tpu.memory_space<vmem>>, vector<1x16xf32>,
          %get3A_108 = vector.shape_cast %get3A_107 : vector<1x16xf32> to vector<16xf32>
          %mul3A_109 = arith.mulf %get3A_108, %get3A_104 : vector<16xf32>
          %swap3A = arith.index_cast %scan3A_99 : i32 to index
          %swap3A_110 = arith.constant 0 : index
          %swap3A_111 = tpu.vector_load %arg16[%swap3A, %swap3A_110] {strides = array<i32>} : memref<64x128xf32, #tpu.memory_space<vmem>>, vector<1x16xf32>,
          %swap3A_112 = vector.shape_cast %swap3A_111 : vector<1x16xf32> to vector<16xf32>
          %swap3A_113 = vector.shape_cast %mul3A_109 : vector<16xf32> to vector<1x16xf32>
          tpu.vector_store %arg16[%swap3A, %swap3A_110], %swap3A_113 {strides = array<i32>} : memref<64x128xf32, #tpu.memory_space<vmem>>, vector<1x16xf32>,
          %swap3A_114 = arith.index_cast %scan3A_99 : i32 to index
          %swap3A_115 = arith.constant 64 : index
          %swap3A_116 = tpu.vector_load %arg16[%swap3A_114, %swap3A_115] {strides = array<i32>} : memref<64x128xf32, #tpu.memory_space<vmem>>, vector<1x16xf32>,
          %swap3A_117 = vector.shape_cast %swap3A_116 : vector<1x16xf32> to vector<16xf32>
          %swap3A_118 = vector.shape_cast %get3A_104 : vector<16xf32> to vector<1x16xf32>
          tpu.vector_store %arg16[%swap3A_114, %swap3A_115], %swap3A_118 {strides = array<i32>} : memref<64x128xf32, #tpu.memory_space<vmem>>, vector<1x16xf32>,
          %add3A_119 = arith.constant 16 : i32
          %add3A_120 = arith.addi %mul3A_4, %add3A_119 : i32
          %get3A_121 = arith.index_cast %scan3A_99 : i32 to index
          %get3A_122 = arith.constant 16 : index
          %get3A_123 = tpu.vector_load %arg12[%get3A_121, %get3A_122] {strides = array<i32>} : memref<64x64xf32, #tpu.memory_space<vmem>>, vector<1x16xf32>,
          %get3A_124 = vector.shape_cast %get3A_123 : vector<1x16xf32> to vector<16xf32>
          %get3A_125 = arith.index_cast %scan3A_99 : i32 to index
          %get3A_126 = arith.index_cast %add3A_120 : i32 to index
          %get3A_127 = tpu.vector_load %arg14[%get3A_125, %get3A_126] {strides = array<i32>} : memref<64x128xf32, #tpu.memory_space<vmem>>, vector<1x16xf32>,
          %get3A_128 = vector.shape_cast %get3A_127 : vector<1x16xf32> to vector<16xf32>
          %mul3A_129 = arith.mulf %get3A_128, %get3A_124 : vector<16xf32>
          %swap3A_130 = arith.index_cast %scan3A_99 : i32 to index
          %swap3A_131 = arith.constant 16 : index
          %swap3A_132 = tpu.vector_load %arg16[%swap3A_130, %swap3A_131] {strides = array<i32>} : memref<64x128xf32, #tpu.memory_space<vmem>>, vector<1x16xf32>,
          %swap3A_133 = vector.shape_cast %swap3A_132 : vector<1x16xf32> to vector<16xf32>
          %swap3A_134 = vector.shape_cast %mul3A_129 : vector<16xf32> to vector<1x16xf32>
          tpu.vector_store %arg16[%swap3A_130, %swap3A_131], %swap3A_134 {strides = array<i32>} : memref<64x128xf32, #tpu.memory_space<vmem>>, vector<1x16xf32>,
          %swap3A_135 = arith.index_cast %scan3A_99 : i32 to index
          %swap3A_136 = arith.constant 80 : index
          %swap3A_137 = tpu.vector_load %arg16[%swap3A_135, %swap3A_136] {strides = array<i32>} : memref<64x128xf32, #tpu.memory_space<vmem>>, vector<1x16xf32>,
          %swap3A_138 = vector.shape_cast %swap3A_137 : vector<1x16xf32> to vector<16xf32>
          %swap3A_139 = vector.shape_cast %get3A_124 : vector<16xf32> to vector<1x16xf32>
          tpu.vector_store %arg16[%swap3A_135, %swap3A_136], %swap3A_139 {strides = array<i32>} : memref<64x128xf32, #tpu.memory_space<vmem>>, vector<1x16xf32>,
          %add3A_140 = arith.constant 32 : i32
          %add3A_141 = arith.addi %mul3A_4, %add3A_140 : i32
          %get3A_142 = arith.index_cast %scan3A_99 : i32 to index
          %get3A_143 = arith.constant 32 : index
          %get3A_144 = tpu.vector_load %arg12[%get3A_142, %get3A_143] {strides = array<i32>} : memref<64x64xf32, #tpu.memory_space<vmem>>, vector<1x16xf32>,
          %get3A_145 = vector.shape_cast %get3A_144 : vector<1x16xf32> to vector<16xf32>
          %get3A_146 = arith.index_cast %scan3A_99 : i32 to index
          %get3A_147 = arith.index_cast %add3A_141 : i32 to index
          %get3A_148 = tpu.vector_load %arg14[%get3A_146, %get3A_147] {strides = array<i32>} : memref<64x128xf32, #tpu.memory_space<vmem>>, vector<1x16xf32>,
          %get3A_149 = vector.shape_cast %get3A_148 : vector<1x16xf32> to vector<16xf32>
          %mul3A_150 = arith.mulf %get3A_149, %get3A_145 : vector<16xf32>
          %swap3A_151 = arith.index_cast %scan3A_99 : i32 to index
          %swap3A_152 = arith.constant 32 : index
          %swap3A_153 = tpu.vector_load %arg16[%swap3A_151, %swap3A_152] {strides = array<i32>} : memref<64x128xf32, #tpu.memory_space<vmem>>, vector<1x16xf32>,
          %swap3A_154 = vector.shape_cast %swap3A_153 : vector<1x16xf32> to vector<16xf32>
          %swap3A_155 = vector.shape_cast %mul3A_150 : vector<16xf32> to vector<1x16xf32>
          tpu.vector_store %arg16[%swap3A_151, %swap3A_152], %swap3A_155 {strides = array<i32>} : memref<64x128xf32, #tpu.memory_space<vmem>>, vector<1x16xf32>,
          %swap3A_156 = arith.index_cast %scan3A_99 : i32 to index
          %swap3A_157 = arith.constant 96 : index
          %swap3A_158 = tpu.vector_load %arg16[%swap3A_156, %swap3A_157] {strides = array<i32>} : memref<64x128xf32, #tpu.memory_space<vmem>>, vector<1x16xf32>,
          %swap3A_159 = vector.shape_cast %swap3A_158 : vector<1x16xf32> to vector<16xf32>
          %swap3A_160 = vector.shape_cast %get3A_145 : vector<16xf32> to vector<1x16xf32>
          tpu.vector_store %arg16[%swap3A_156, %swap3A_157], %swap3A_160 {strides = array<i32>} : memref<64x128xf32, #tpu.memory_space<vmem>>, vector<1x16xf32>,
          %add3A_161 = arith.constant 48 : i32
          %add3A_162 = arith.addi %mul3A_4, %add3A_161 : i32
          %get3A_163 = arith.index_cast %scan3A_99 : i32 to index
          %get3A_164 = arith.constant 48 : index
          %get3A_165 = tpu.vector_load %arg12[%get3A_163, %get3A_164] {strides = array<i32>} : memref<64x64xf32, #tpu.memory_space<vmem>>, vector<1x16xf32>,
          %get3A_166 = vector.shape_cast %get3A_165 : vector<1x16xf32> to vector<16xf32>
          %get3A_167 = arith.index_cast %scan3A_99 : i32 to index
          %get3A_168 = arith.index_cast %add3A_162 : i32 to index
          %get3A_169 = tpu.vector_load %arg14[%get3A_167, %get3A_168] {strides = array<i32>} : memref<64x128xf32, #tpu.memory_space<vmem>>, vector<1x16xf32>,
          %get3A_170 = vector.shape_cast %get3A_169 : vector<1x16xf32> to vector<16xf32>
          %mul3A_171 = arith.mulf %get3A_170, %get3A_166 : vector<16xf32>
          %swap3A_172 = arith.index_cast %scan3A_99 : i32 to index
          %swap3A_173 = arith.constant 48 : index
          %swap3A_174 = tpu.vector_load %arg16[%swap3A_172, %swap3A_173] {strides = array<i32>} : memref<64x128xf32, #tpu.memory_space<vmem>>, vector<1x16xf32>,
          %swap3A_175 = vector.shape_cast %swap3A_174 : vector<1x16xf32> to vector<16xf32>
          %swap3A_176 = vector.shape_cast %mul3A_171 : vector<16xf32> to vector<1x16xf32>
          tpu.vector_store %arg16[%swap3A_172, %swap3A_173], %swap3A_176 {strides = array<i32>} : memref<64x128xf32, #tpu.memory_space<vmem>>, vector<1x16xf32>,
          %swap3A_177 = arith.index_cast %scan3A_99 : i32 to index
          %swap3A_178 = arith.constant 112 : index
          %swap3A_179 = tpu.vector_load %arg16[%swap3A_177, %swap3A_178] {strides = array<i32>} : memref<64x128xf32, #tpu.memory_space<vmem>>, vector<1x16xf32>,
          %swap3A_180 = vector.shape_cast %swap3A_179 : vector<1x16xf32> to vector<16xf32>
          %swap3A_181 = vector.shape_cast %get3A_166 : vector<16xf32> to vector<1x16xf32>
          tpu.vector_store %arg16[%swap3A_177, %swap3A_178], %swap3A_181 {strides = array<i32>} : memref<64x128xf32, #tpu.memory_space<vmem>>, vector<1x16xf32>,
        }
        %scan3A_98 = arith.constant 64 : i32
        "tpu.region"() ({
          %run_scoped3A = tpu.sem_alloc : memref<!tpu.dma_semaphore, #tpu.memory_space<semaphore_mem>>
          %dma_start3A = arith.constant 0 : i32
          %dma_start3A_99 = arith.constant 0 : i32
          %dma_start3A_100 = tpu.memref_slice %arg7[%dma_start3A, %dma_start3A_99] : memref<10000x128xf32, #tpu.memory_space<vmem_shared>> -> memref<10000x128xf32, #tpu.memory_space<vmem_shared>>
          tpu.enqueue_indirect_dma source(%arg16 : memref<64x128xf32, #tpu.memory_space<vmem>>) target(%dma_start3A_100 : memref<10000x128xf32, #tpu.memory_space<vmem_shared>>) offsets(%arg10 : memref<64xi32, #tpu.memory_space<vmem>>) semaphore(%run_scoped3A : memref<!tpu.dma_semaphore, #tpu.memory_space<semaphore_mem>>) {add = true}
          %dma_wait3A_101 = arith.constant 0 : i32
          %dma_wait3A_102 = arith.constant 0 : i32
          %dma_wait3A_103 = tpu.memref_slice %arg7[%dma_wait3A_101, %dma_wait3A_102] : memref<10000x128xf32, #tpu.memory_space<vmem_shared>> -> memref<10000x128xf32, #tpu.memory_space<vmem_shared>>
          tpu.wait_indirect_dma semaphore(%run_scoped3A : memref<!tpu.dma_semaphore, #tpu.memory_space<semaphore_mem>>) src(%arg16 : memref<64x128xf32, #tpu.memory_space<vmem>>) dst(%dma_wait3A_103 : memref<10000x128xf32, #tpu.memory_space<vmem_shared>>)
          tpu.yield
        }) : () -> ()
      } else {
      }
      %add3A_61 = arith.constant 2 : i32
      %add3A_62 = arith.addi %add3A_52, %add3A_61 : i32
      %mul3A_63 = arith.constant 16 : i32
      %mul3A_64 = arith.muli %add3A_62, %mul3A_63 : i32
      %add3A_65 = arith.addi %mul3A_64, %arg1 : i32
      %lt3A_66 = arith.constant 5000 : i32
      %lt3A_67 = arith.cmpi slt, %add3A_65, %lt3A_66 : i32
      %convert_element_type3A_68 = arith.extui %lt3A_67 : i1 to i32
      %cond3A_69 = arith.constant 0 : i32
      %cond3A_70 = arith.cmpi ne, %convert_element_type3A_68, %cond3A_69 : i32
      scf.if %cond3A_70 {
        %mul3A_91 = arith.constant 64 : i32
        %mul3A_92 = arith.muli %add3A_65, %mul3A_91 : i32
        %dma_start3A = arith.constant 0 : i32
        %dma_start3A_93 = tpu.memref_slice %arg4[%dma_start3A, %mul3A_92] : memref<2x320000xi32, #tpu.memory_space<hbm>> -> memref<1x64xi32, #tpu.memory_space<hbm>>
        %dma_start3A_94 = tpu.memref_squeeze %dma_start3A_93 : memref<1x64xi32, #tpu.memory_space<hbm>> -> memref<64xi32, #tpu.memory_space<hbm>>
        %dma_start3A_95 = tpu.memref_slice %arg4[%dma_start3A, %mul3A_92] : memref<2x320000xi32, #tpu.memory_space<hbm>> -> memref<1x64xi32, #tpu.memory_space<hbm>>
        %dma_start3A_96 = tpu.memref_squeeze %dma_start3A_95 : memref<1x64xi32, #tpu.memory_space<hbm>> -> memref<64xi32, #tpu.memory_space<hbm>>
        tpu.enqueue_dma source(%dma_start3A_96 : memref<64xi32, #tpu.memory_space<hbm>>) target(%arg8 : memref<64xi32, #tpu.memory_space<vmem>>) target_semaphore(%arg18 : memref<!tpu.dma_semaphore, #tpu.memory_space<semaphore_mem>>)
        %dma_start3A_97 = arith.constant 1 : i32
        %dma_start3A_98 = tpu.memref_slice %arg4[%dma_start3A_97, %mul3A_92] : memref<2x320000xi32, #tpu.memory_space<hbm>> -> memref<1x64xi32, #tpu.memory_space<hbm>>
        %dma_start3A_99 = tpu.memref_squeeze %dma_start3A_98 : memref<1x64xi32, #tpu.memory_space<hbm>> -> memref<64xi32, #tpu.memory_space<hbm>>
        %dma_start3A_100 = tpu.memref_slice %arg4[%dma_start3A_97, %mul3A_92] : memref<2x320000xi32, #tpu.memory_space<hbm>> -> memref<1x64xi32, #tpu.memory_space<hbm>>
        %dma_start3A_101 = tpu.memref_squeeze %dma_start3A_100 : memref<1x64xi32, #tpu.memory_space<hbm>> -> memref<64xi32, #tpu.memory_space<hbm>>
        tpu.enqueue_dma source(%dma_start3A_101 : memref<64xi32, #tpu.memory_space<hbm>>) target(%arg10 : memref<64xi32, #tpu.memory_space<vmem>>) target_semaphore(%arg18 : memref<!tpu.dma_semaphore, #tpu.memory_space<semaphore_mem>>)
        %dma_start3A_102 = arith.constant 0 : i32
        %dma_start3A_103 = tpu.memref_slice %arg2[%arg0, %mul3A_92, %dma_start3A_102] : memref<2x320000x64xf32, #tpu.memory_space<hbm>> -> memref<1x64x64xf32, #tpu.memory_space<hbm>>
        %dma_start3A_104 = tpu.memref_squeeze %dma_start3A_103 : memref<1x64x64xf32, #tpu.memory_space<hbm>> -> memref<64x64xf32, #tpu.memory_space<hbm>>
        %dma_start3A_105 = arith.constant 0 : i32
        %dma_start3A_106 = tpu.memref_slice %arg2[%arg0, %mul3A_92, %dma_start3A_105] : memref<2x320000x64xf32, #tpu.memory_space<hbm>> -> memref<1x64x64xf32, #tpu.memory_space<hbm>>
        %dma_start3A_107 = tpu.memref_squeeze %dma_start3A_106 : memref<1x64x64xf32, #tpu.memory_space<hbm>> -> memref<64x64xf32, #tpu.memory_space<hbm>>
        tpu.enqueue_dma source(%dma_start3A_107 : memref<64x64xf32, #tpu.memory_space<hbm>>) target(%arg12 : memref<64x64xf32, #tpu.memory_space<vmem>>) target_semaphore(%arg18 : memref<!tpu.dma_semaphore, #tpu.memory_space<semaphore_mem>>)
      } else {
      }
      %add3A_71 = arith.constant 1 : i32
      %add3A_72 = arith.addi %mul3A_30, %add3A_71 : i32
      %mul3A_73 = arith.constant 16 : i32
      %mul3A_74 = arith.muli %add3A_72, %mul3A_73 : i32
      %add3A_75 = arith.addi %mul3A_74, %arg1 : i32
      %lt3A_76 = arith.constant 5000 : i32
      %lt3A_77 = arith.cmpi slt, %add3A_75, %lt3A_76 : i32
      %convert_element_type3A_78 = arith.extui %lt3A_77 : i1 to i32
      %cond3A_79 = arith.constant 0 : i32
      %cond3A_80 = arith.cmpi ne, %convert_element_type3A_78, %cond3A_79 : i32
      scf.if %cond3A_80 {
        %dma_wait3A = arith.constant 0 : i32
        %dma_wait3A_91 = arith.constant 0 : i32
        %dma_wait3A_92 = tpu.memref_slice %arg3[%dma_wait3A, %dma_wait3A_91] : memref<10000x128xf32, #tpu.memory_space<hbm>> -> memref<10000x128xf32, #tpu.memory_space<hbm>>
        tpu.wait_indirect_dma semaphore(%arg21 : memref<!tpu.dma_semaphore, #tpu.memory_space<semaphore_mem>>) src(%dma_wait3A_92 : memref<10000x128xf32, #tpu.memory_space<hbm>>) dst(%arg15 : memref<64x128xf32, #tpu.memory_space<vmem>>)
        %scan3A_93 = arith.constant 0 : i32
        %scan3A_94 = arith.constant 0 : i32
        %scan3A_95 = arith.constant 64 : i32
        %scan3A_96 = arith.addi %scan3A_94, %scan3A_95 : i32
        %scan3A_97 = arith.constant 1 : i32
        scf.for %scan3A_99 = %scan3A_94 to %scan3A_96 step %scan3A_97  : i32 {
          %add3A_100 = arith.constant 0 : i32
          %add3A_101 = arith.addi %mul3A_4, %add3A_100 : i32
          %get3A = arith.index_cast %scan3A_99 : i32 to index
          %get3A_102 = arith.constant 0 : index
          %get3A_103 = tpu.vector_load %arg13[%get3A, %get3A_102] {strides = array<i32>} : memref<64x64xf32, #tpu.memory_space<vmem>>, vector<1x16xf32>,
          %get3A_104 = vector.shape_cast %get3A_103 : vector<1x16xf32> to vector<16xf32>
          %get3A_105 = arith.index_cast %scan3A_99 : i32 to index
          %get3A_106 = arith.index_cast %add3A_101 : i32 to index
          %get3A_107 = tpu.vector_load %arg15[%get3A_105, %get3A_106] {strides = array<i32>} : memref<64x128xf32, #tpu.memory_space<vmem>>, vector<1x16xf32>,
          %get3A_108 = vector.shape_cast %get3A_107 : vector<1x16xf32> to vector<16xf32>
          %mul3A_109 = arith.mulf %get3A_108, %get3A_104 : vector<16xf32>
          %swap3A = arith.index_cast %scan3A_99 : i32 to index
          %swap3A_110 = arith.constant 0 : index
          %swap3A_111 = tpu.vector_load %arg17[%swap3A, %swap3A_110] {strides = array<i32>} : memref<64x128xf32, #tpu.memory_space<vmem>>, vector<1x16xf32>,
          %swap3A_112 = vector.shape_cast %swap3A_111 : vector<1x16xf32> to vector<16xf32>
          %swap3A_113 = vector.shape_cast %mul3A_109 : vector<16xf32> to vector<1x16xf32>
          tpu.vector_store %arg17[%swap3A, %swap3A_110], %swap3A_113 {strides = array<i32>} : memref<64x128xf32, #tpu.memory_space<vmem>>, vector<1x16xf32>,
          %swap3A_114 = arith.index_cast %scan3A_99 : i32 to index
          %swap3A_115 = arith.constant 64 : index
          %swap3A_116 = tpu.vector_load %arg17[%swap3A_114, %swap3A_115] {strides = array<i32>} : memref<64x128xf32, #tpu.memory_space<vmem>>, vector<1x16xf32>,
          %swap3A_117 = vector.shape_cast %swap3A_116 : vector<1x16xf32> to vector<16xf32>
          %swap3A_118 = vector.shape_cast %get3A_104 : vector<16xf32> to vector<1x16xf32>
          tpu.vector_store %arg17[%swap3A_114, %swap3A_115], %swap3A_118 {strides = array<i32>} : memref<64x128xf32, #tpu.memory_space<vmem>>, vector<1x16xf32>,
          %add3A_119 = arith.constant 16 : i32
          %add3A_120 = arith.addi %mul3A_4, %add3A_119 : i32
          %get3A_121 = arith.index_cast %scan3A_99 : i32 to index
          %get3A_122 = arith.constant 16 : index
          %get3A_123 = tpu.vector_load %arg13[%get3A_121, %get3A_122] {strides = array<i32>} : memref<64x64xf32, #tpu.memory_space<vmem>>, vector<1x16xf32>,
          %get3A_124 = vector.shape_cast %get3A_123 : vector<1x16xf32> to vector<16xf32>
          %get3A_125 = arith.index_cast %scan3A_99 : i32 to index
          %get3A_126 = arith.index_cast %add3A_120 : i32 to index
          %get3A_127 = tpu.vector_load %arg15[%get3A_125, %get3A_126] {strides = array<i32>} : memref<64x128xf32, #tpu.memory_space<vmem>>, vector<1x16xf32>,
          %get3A_128 = vector.shape_cast %get3A_127 : vector<1x16xf32> to vector<16xf32>
          %mul3A_129 = arith.mulf %get3A_128, %get3A_124 : vector<16xf32>
          %swap3A_130 = arith.index_cast %scan3A_99 : i32 to index
          %swap3A_131 = arith.constant 16 : index
          %swap3A_132 = tpu.vector_load %arg17[%swap3A_130, %swap3A_131] {strides = array<i32>} : memref<64x128xf32, #tpu.memory_space<vmem>>, vector<1x16xf32>,
          %swap3A_133 = vector.shape_cast %swap3A_132 : vector<1x16xf32> to vector<16xf32>
          %swap3A_134 = vector.shape_cast %mul3A_129 : vector<16xf32> to vector<1x16xf32>
          tpu.vector_store %arg17[%swap3A_130, %swap3A_131], %swap3A_134 {strides = array<i32>} : memref<64x128xf32, #tpu.memory_space<vmem>>, vector<1x16xf32>,
          %swap3A_135 = arith.index_cast %scan3A_99 : i32 to index
          %swap3A_136 = arith.constant 80 : index
          %swap3A_137 = tpu.vector_load %arg17[%swap3A_135, %swap3A_136] {strides = array<i32>} : memref<64x128xf32, #tpu.memory_space<vmem>>, vector<1x16xf32>,
          %swap3A_138 = vector.shape_cast %swap3A_137 : vector<1x16xf32> to vector<16xf32>
          %swap3A_139 = vector.shape_cast %get3A_124 : vector<16xf32> to vector<1x16xf32>
          tpu.vector_store %arg17[%swap3A_135, %swap3A_136], %swap3A_139 {strides = array<i32>} : memref<64x128xf32, #tpu.memory_space<vmem>>, vector<1x16xf32>,
          %add3A_140 = arith.constant 32 : i32
          %add3A_141 = arith.addi %mul3A_4, %add3A_140 : i32
          %get3A_142 = arith.index_cast %scan3A_99 : i32 to index
          %get3A_143 = arith.constant 32 : index
          %get3A_144 = tpu.vector_load %arg13[%get3A_142, %get3A_143] {strides = array<i32>} : memref<64x64xf32, #tpu.memory_space<vmem>>, vector<1x16xf32>,
          %get3A_145 = vector.shape_cast %get3A_144 : vector<1x16xf32> to vector<16xf32>
          %get3A_146 = arith.index_cast %scan3A_99 : i32 to index
          %get3A_147 = arith.index_cast %add3A_141 : i32 to index
          %get3A_148 = tpu.vector_load %arg15[%get3A_146, %get3A_147] {strides = array<i32>} : memref<64x128xf32, #tpu.memory_space<vmem>>, vector<1x16xf32>,
          %get3A_149 = vector.shape_cast %get3A_148 : vector<1x16xf32> to vector<16xf32>
          %mul3A_150 = arith.mulf %get3A_149, %get3A_145 : vector<16xf32>
          %swap3A_151 = arith.index_cast %scan3A_99 : i32 to index
          %swap3A_152 = arith.constant 32 : index
          %swap3A_153 = tpu.vector_load %arg17[%swap3A_151, %swap3A_152] {strides = array<i32>} : memref<64x128xf32, #tpu.memory_space<vmem>>, vector<1x16xf32>,
          %swap3A_154 = vector.shape_cast %swap3A_153 : vector<1x16xf32> to vector<16xf32>
          %swap3A_155 = vector.shape_cast %mul3A_150 : vector<16xf32> to vector<1x16xf32>
          tpu.vector_store %arg17[%swap3A_151, %swap3A_152], %swap3A_155 {strides = array<i32>} : memref<64x128xf32, #tpu.memory_space<vmem>>, vector<1x16xf32>,
          %swap3A_156 = arith.index_cast %scan3A_99 : i32 to index
          %swap3A_157 = arith.constant 96 : index
          %swap3A_158 = tpu.vector_load %arg17[%swap3A_156, %swap3A_157] {strides = array<i32>} : memref<64x128xf32, #tpu.memory_space<vmem>>, vector<1x16xf32>,
          %swap3A_159 = vector.shape_cast %swap3A_158 : vector<1x16xf32> to vector<16xf32>
          %swap3A_160 = vector.shape_cast %get3A_145 : vector<16xf32> to vector<1x16xf32>
          tpu.vector_store %arg17[%swap3A_156, %swap3A_157], %swap3A_160 {strides = array<i32>} : memref<64x128xf32, #tpu.memory_space<vmem>>, vector<1x16xf32>,
          %add3A_161 = arith.constant 48 : i32
          %add3A_162 = arith.addi %mul3A_4, %add3A_161 : i32
          %get3A_163 = arith.index_cast %scan3A_99 : i32 to index
          %get3A_164 = arith.constant 48 : index
          %get3A_165 = tpu.vector_load %arg13[%get3A_163, %get3A_164] {strides = array<i32>} : memref<64x64xf32, #tpu.memory_space<vmem>>, vector<1x16xf32>,
          %get3A_166 = vector.shape_cast %get3A_165 : vector<1x16xf32> to vector<16xf32>
          %get3A_167 = arith.index_cast %scan3A_99 : i32 to index
          %get3A_168 = arith.index_cast %add3A_162 : i32 to index
          %get3A_169 = tpu.vector_load %arg15[%get3A_167, %get3A_168] {strides = array<i32>} : memref<64x128xf32, #tpu.memory_space<vmem>>, vector<1x16xf32>,
          %get3A_170 = vector.shape_cast %get3A_169 : vector<1x16xf32> to vector<16xf32>
          %mul3A_171 = arith.mulf %get3A_170, %get3A_166 : vector<16xf32>
          %swap3A_172 = arith.index_cast %scan3A_99 : i32 to index
          %swap3A_173 = arith.constant 48 : index
          %swap3A_174 = tpu.vector_load %arg17[%swap3A_172, %swap3A_173] {strides = array<i32>} : memref<64x128xf32, #tpu.memory_space<vmem>>, vector<1x16xf32>,
          %swap3A_175 = vector.shape_cast %swap3A_174 : vector<1x16xf32> to vector<16xf32>
          %swap3A_176 = vector.shape_cast %mul3A_171 : vector<16xf32> to vector<1x16xf32>
          tpu.vector_store %arg17[%swap3A_172, %swap3A_173], %swap3A_176 {strides = array<i32>} : memref<64x128xf32, #tpu.memory_space<vmem>>, vector<1x16xf32>,
          %swap3A_177 = arith.index_cast %scan3A_99 : i32 to index
          %swap3A_178 = arith.constant 112 : index
          %swap3A_179 = tpu.vector_load %arg17[%swap3A_177, %swap3A_178] {strides = array<i32>} : memref<64x128xf32, #tpu.memory_space<vmem>>, vector<1x16xf32>,
          %swap3A_180 = vector.shape_cast %swap3A_179 : vector<1x16xf32> to vector<16xf32>
          %swap3A_181 = vector.shape_cast %get3A_166 : vector<16xf32> to vector<1x16xf32>
          tpu.vector_store %arg17[%swap3A_177, %swap3A_178], %swap3A_181 {strides = array<i32>} : memref<64x128xf32, #tpu.memory_space<vmem>>, vector<1x16xf32>,
        }
        %scan3A_98 = arith.constant 64 : i32
        "tpu.region"() ({
          %run_scoped3A = tpu.sem_alloc : memref<!tpu.dma_semaphore, #tpu.memory_space<semaphore_mem>>
          %dma_start3A = arith.constant 0 : i32
          %dma_start3A_99 = arith.constant 0 : i32
          %dma_start3A_100 = tpu.memref_slice %arg7[%dma_start3A, %dma_start3A_99] : memref<10000x128xf32, #tpu.memory_space<vmem_shared>> -> memref<10000x128xf32, #tpu.memory_space<vmem_shared>>
          tpu.enqueue_indirect_dma source(%arg17 : memref<64x128xf32, #tpu.memory_space<vmem>>) target(%dma_start3A_100 : memref<10000x128xf32, #tpu.memory_space<vmem_shared>>) offsets(%arg11 : memref<64xi32, #tpu.memory_space<vmem>>) semaphore(%run_scoped3A : memref<!tpu.dma_semaphore, #tpu.memory_space<semaphore_mem>>) {add = true}
          %dma_wait3A_101 = arith.constant 0 : i32
          %dma_wait3A_102 = arith.constant 0 : i32
          %dma_wait3A_103 = tpu.memref_slice %arg7[%dma_wait3A_101, %dma_wait3A_102] : memref<10000x128xf32, #tpu.memory_space<vmem_shared>> -> memref<10000x128xf32, #tpu.memory_space<vmem_shared>>
          tpu.wait_indirect_dma semaphore(%run_scoped3A : memref<!tpu.dma_semaphore, #tpu.memory_space<semaphore_mem>>) src(%arg17 : memref<64x128xf32, #tpu.memory_space<vmem>>) dst(%dma_wait3A_103 : memref<10000x128xf32, #tpu.memory_space<vmem_shared>>)
          tpu.yield
        }) : () -> ()
      } else {
      }
      %add3A_81 = arith.constant 2 : i32
      %add3A_82 = arith.addi %add3A_72, %add3A_81 : i32
      %mul3A_83 = arith.constant 16 : i32
      %mul3A_84 = arith.muli %add3A_82, %mul3A_83 : i32
      %add3A_85 = arith.addi %mul3A_84, %arg1 : i32
      %lt3A_86 = arith.constant 5000 : i32
      %lt3A_87 = arith.cmpi slt, %add3A_85, %lt3A_86 : i32
      %convert_element_type3A_88 = arith.extui %lt3A_87 : i1 to i32
      %cond3A_89 = arith.constant 0 : i32
      %cond3A_90 = arith.cmpi ne, %convert_element_type3A_88, %cond3A_89 : i32
      scf.if %cond3A_90 {
        %mul3A_91 = arith.constant 64 : i32
        %mul3A_92 = arith.muli %add3A_85, %mul3A_91 : i32
        %dma_start3A = arith.constant 0 : i32
        %dma_start3A_93 = tpu.memref_slice %arg4[%dma_start3A, %mul3A_92] : memref<2x320000xi32, #tpu.memory_space<hbm>> -> memref<1x64xi32, #tpu.memory_space<hbm>>
        %dma_start3A_94 = tpu.memref_squeeze %dma_start3A_93 : memref<1x64xi32, #tpu.memory_space<hbm>> -> memref<64xi32, #tpu.memory_space<hbm>>
        %dma_start3A_95 = tpu.memref_slice %arg4[%dma_start3A, %mul3A_92] : memref<2x320000xi32, #tpu.memory_space<hbm>> -> memref<1x64xi32, #tpu.memory_space<hbm>>
        %dma_start3A_96 = tpu.memref_squeeze %dma_start3A_95 : memref<1x64xi32, #tpu.memory_space<hbm>> -> memref<64xi32, #tpu.memory_space<hbm>>
        tpu.enqueue_dma source(%dma_start3A_96 : memref<64xi32, #tpu.memory_space<hbm>>) target(%arg9 : memref<64xi32, #tpu.memory_space<vmem>>) target_semaphore(%arg19 : memref<!tpu.dma_semaphore, #tpu.memory_space<semaphore_mem>>)
        %dma_start3A_97 = arith.constant 1 : i32
        %dma_start3A_98 = tpu.memref_slice %arg4[%dma_start3A_97, %mul3A_92] : memref<2x320000xi32, #tpu.memory_space<hbm>> -> memref<1x64xi32, #tpu.memory_space<hbm>>
        %dma_start3A_99 = tpu.memref_squeeze %dma_start3A_98 : memref<1x64xi32, #tpu.memory_space<hbm>> -> memref<64xi32, #tpu.memory_space<hbm>>
        %dma_start3A_100 = tpu.memref_slice %arg4[%dma_start3A_97, %mul3A_92] : memref<2x320000xi32, #tpu.memory_space<hbm>> -> memref<1x64xi32, #tpu.memory_space<hbm>>
        %dma_start3A_101 = tpu.memref_squeeze %dma_start3A_100 : memref<1x64xi32, #tpu.memory_space<hbm>> -> memref<64xi32, #tpu.memory_space<hbm>>
        tpu.enqueue_dma source(%dma_start3A_101 : memref<64xi32, #tpu.memory_space<hbm>>) target(%arg11 : memref<64xi32, #tpu.memory_space<vmem>>) target_semaphore(%arg19 : memref<!tpu.dma_semaphore, #tpu.memory_space<semaphore_mem>>)
        %dma_start3A_102 = arith.constant 0 : i32
        %dma_start3A_103 = tpu.memref_slice %arg2[%arg0, %mul3A_92, %dma_start3A_102] : memref<2x320000x64xf32, #tpu.memory_space<hbm>> -> memref<1x64x64xf32, #tpu.memory_space<hbm>>
        %dma_start3A_104 = tpu.memref_squeeze %dma_start3A_103 : memref<1x64x64xf32, #tpu.memory_space<hbm>> -> memref<64x64xf32, #tpu.memory_space<hbm>>
        %dma_start3A_105 = arith.constant 0 : i32
        %dma_start3A_106 = tpu.memref_slice %arg2[%arg0, %mul3A_92, %dma_start3A_105] : memref<2x320000x64xf32, #tpu.memory_space<hbm>> -> memref<1x64x64xf32, #tpu.memory_space<hbm>>
        %dma_start3A_107 = tpu.memref_squeeze %dma_start3A_106 : memref<1x64x64xf32, #tpu.memory_space<hbm>> -> memref<64x64xf32, #tpu.memory_space<hbm>>
        tpu.enqueue_dma source(%dma_start3A_107 : memref<64x64xf32, #tpu.memory_space<hbm>>) target(%arg13 : memref<64x64xf32, #tpu.memory_space<vmem>>) target_semaphore(%arg19 : memref<!tpu.dma_semaphore, #tpu.memory_space<semaphore_mem>>)
      } else {
      }
    }
    %scan3A_21 = arith.constant 157 : i32
    %barrier3A_22 = arith.constant 0 : index
    tpu.barrier barrier_id(%barrier3A_22)
    "tpu.region"() ({
      %run_scoped3A = tpu.sem_alloc : memref<!tpu.dma_semaphore, #tpu.memory_space<semaphore_mem>>
      %dma_start3A = arith.constant 0 : i32
      %dma_start3A_28 = tpu.memref_slice %arg6[%arg0, %mul3A_0, %dma_start3A] : memref<2x10000x128xf32, #tpu.memory_space<hbm>> -> memref<1x624x128xf32, #tpu.memory_space<hbm>>
      %dma_start3A_29 = tpu.memref_squeeze %dma_start3A_28 : memref<1x624x128xf32, #tpu.memory_space<hbm>> -> memref<624x128xf32, #tpu.memory_space<hbm>>
      %dma_start3A_30 = arith.constant 0 : i32
      %dma_start3A_31 = tpu.memref_slice %arg7[%mul3A_0, %dma_start3A_30] : memref<10000x128xf32, #tpu.memory_space<vmem_shared>> -> memref<624x128xf32, #tpu.memory_space<vmem_shared>>
      tpu.enqueue_dma source(%dma_start3A_31 : memref<624x128xf32, #tpu.memory_space<vmem_shared>>) target(%dma_start3A_29 : memref<624x128xf32, #tpu.memory_space<hbm>>) target_semaphore(%run_scoped3A : memref<!tpu.dma_semaphore, #tpu.memory_space<semaphore_mem>>)
      %dma_wait3A = arith.constant 0 : i32
      %dma_wait3A_32 = tpu.memref_slice %arg6[%arg0, %mul3A_0, %dma_wait3A] : memref<2x10000x128xf32, #tpu.memory_space<hbm>> -> memref<1x624x128xf32, #tpu.memory_space<hbm>>
      %dma_wait3A_33 = tpu.memref_squeeze %dma_wait3A_32 : memref<1x624x128xf32, #tpu.memory_space<hbm>> -> memref<624x128xf32, #tpu.memory_space<hbm>>
      %dma_wait3A_34 = arith.constant 0 : i32
      %dma_wait3A_35 = tpu.memref_slice %arg7[%mul3A_0, %dma_wait3A_34] : memref<10000x128xf32, #tpu.memory_space<vmem_shared>> -> memref<624x128xf32, #tpu.memory_space<vmem_shared>>
      tpu.wait_dma2 semaphore(%run_scoped3A : memref<!tpu.dma_semaphore, #tpu.memory_space<semaphore_mem>>) src(%dma_wait3A_35 : memref<624x128xf32, #tpu.memory_space<vmem_shared>>) dst(%dma_wait3A_33 : memref<624x128xf32, #tpu.memory_space<hbm>>)
      tpu.yield
    }) : () -> ()
    %eq3A_23 = arith.constant 0 : i32
    %eq3A_24 = arith.cmpi eq, %arg1, %eq3A_23 : i32
    %convert_element_type3A_25 = arith.extui %eq3A_24 : i1 to i32
    %cond3A_26 = arith.constant 0 : i32
    %cond3A_27 = arith.cmpi ne, %convert_element_type3A_25, %cond3A_26 : i32
    scf.if %cond3A_27 {
      "tpu.region"() ({
        %run_scoped3A = tpu.sem_alloc : memref<!tpu.dma_semaphore, #tpu.memory_space<semaphore_mem>>
        %dma_start3A = arith.constant 9984 : i32
        %dma_start3A_28 = arith.constant 0 : i32
        %dma_start3A_29 = tpu.memref_slice %arg6[%arg0, %dma_start3A, %dma_start3A_28] : memref<2x10000x128xf32, #tpu.memory_space<hbm>> -> memref<1x16x128xf32, #tpu.memory_space<hbm>>
        %dma_start3A_30 = tpu.memref_squeeze %dma_start3A_29 : memref<1x16x128xf32, #tpu.memory_space<hbm>> -> memref<16x128xf32, #tpu.memory_space<hbm>>
        %dma_start3A_31 = arith.constant 9984 : i32
        %dma_start3A_32 = arith.constant 0 : i32
        %dma_start3A_33 = tpu.memref_slice %arg7[%dma_start3A_31, %dma_start3A_32] : memref<10000x128xf32, #tpu.memory_space<vmem_shared>> -> memref<16x128xf32, #tpu.memory_space<vmem_shared>>
        tpu.enqueue_dma source(%dma_start3A_33 : memref<16x128xf32, #tpu.memory_space<vmem_shared>>) target(%dma_start3A_30 : memref<16x128xf32, #tpu.memory_space<hbm>>) target_semaphore(%run_scoped3A : memref<!tpu.dma_semaphore, #tpu.memory_space<semaphore_mem>>)
        %dma_wait3A = arith.constant 9984 : i32
        %dma_wait3A_34 = arith.constant 0 : i32
        %dma_wait3A_35 = tpu.memref_slice %arg6[%arg0, %dma_wait3A, %dma_wait3A_34] : memref<2x10000x128xf32, #tpu.memory_space<hbm>> -> memref<1x16x128xf32, #tpu.memory_space<hbm>>
        %dma_wait3A_36 = tpu.memref_squeeze %dma_wait3A_35 : memref<1x16x128xf32, #tpu.memory_space<hbm>> -> memref<16x128xf32, #tpu.memory_space<hbm>>
        %dma_wait3A_37 = arith.constant 9984 : i32
        %dma_wait3A_38 = arith.constant 0 : i32
        %dma_wait3A_39 = tpu.memref_slice %arg7[%dma_wait3A_37, %dma_wait3A_38] : memref<10000x128xf32, #tpu.memory_space<vmem_shared>> -> memref<16x128xf32, #tpu.memory_space<vmem_shared>>
        tpu.wait_dma2 semaphore(%run_scoped3A : memref<!tpu.dma_semaphore, #tpu.memory_space<semaphore_mem>>) src(%dma_wait3A_39 : memref<16x128xf32, #tpu.memory_space<vmem_shared>>) dst(%dma_wait3A_36 : memref<16x128xf32, #tpu.memory_space<hbm>>)
        tpu.yield
      }) : () -> ()
    } else {
    }
    return
  }
}

module attributes {stable_mosaic.version = 14 : i64} {
  func.func @_edge_proj_body(%arg0: i32, %arg1: memref<4000x128xf32, #tpu.memory_space<vmem>>, %arg2: memref<128x256xf32, #tpu.memory_space<vmem>>, %arg3: memref<1x256xf32, #tpu.memory_space<vmem>>, %arg4: memref<4000x128xf32, #tpu.memory_space<vmem>>, %arg5: memref<4000x128xf32, #tpu.memory_space<vmem>>) attributes {dimension_semantics = [#tpu.dimension_semantics<arbitrary>], iteration_bounds = array<i64: 10>, scalar_prefetch = 0 : i64, scratch_operands = 0 : i64, tpu.core_type = #tpu.core_type<tc>, window_params = [{transform_indices = @transform_0, window_bounds = array<i64: 4000, 128>}, {pipeline_mode = #tpu.pipeline_mode<synchronous>, transform_indices = @transform_1, window_bounds = array<i64: 128, 256>}, {pipeline_mode = #tpu.pipeline_mode<synchronous>, transform_indices = @transform_2, window_bounds = array<i64: 1, 256>}, {transform_indices = @transform_3, window_bounds = array<i64: 4000, 128>}, {transform_indices = @transform_4, window_bounds = array<i64: 4000, 128>}]} {
    %get3A = arith.constant 0 : index
    %get3A_0 = arith.constant 0 : index
    %get3A_1 = vector.load %arg1[%get3A, %get3A_0] : memref<4000x128xf32, #tpu.memory_space<vmem>>, vector<4000x128xf32>
    %get3A_2 = arith.constant 0 : index
    %get3A_3 = arith.constant 0 : index
    %get3A_4 = vector.load %arg2[%get3A_2, %get3A_3] : memref<128x256xf32, #tpu.memory_space<vmem>>, vector<128x256xf32>
    %dot_general3A = arith.constant dense<0.000000e+00> : vector<4000x256xf32>
    %dot_general3A_5 = tpu.matmul %get3A_1, %get3A_4, %dot_general3A {dimension_numbers = #tpu.dot_dimension_numbers<[1], [0], [0], [1], [0, 0, 1, 1], [], []>, transpose_lhs_hint = false} : vector<4000x128xf32>, vector<128x256xf32>, vector<4000x256xf32> -> vector<4000x256xf32>
    %get3A_6 = arith.constant 0 : index
    %get3A_7 = arith.constant 0 : index
    %get3A_8 = vector.load %arg3[%get3A_6, %get3A_7] : memref<1x256xf32, #tpu.memory_space<vmem>>, vector<1x256xf32>
    %add3A = vector.broadcast %get3A_8 : vector<1x256xf32> to vector<4000x256xf32>
    %add3A_9 = arith.addf %dot_general3A_5, %add3A : vector<4000x256xf32>
    %slice3A = vector.extract_strided_slice %add3A_9 {offsets = [0, 0], sizes = [4000, 128], strides = [1, 1]} : vector<4000x256xf32> to vector<4000x128xf32>
    %swap3A = arith.constant 0 : index
    %swap3A_10 = arith.constant 0 : index
    %swap3A_11 = vector.load %arg4[%swap3A, %swap3A_10] : memref<4000x128xf32, #tpu.memory_space<vmem>>, vector<4000x128xf32>
    tpu.vector_store %arg4[%swap3A, %swap3A_10], %slice3A {strides = array<i32>} : memref<4000x128xf32, #tpu.memory_space<vmem>>, vector<4000x128xf32>,
    %slice3A_12 = vector.extract_strided_slice %add3A_9 {offsets = [0, 128], sizes = [4000, 128], strides = [1, 1]} : vector<4000x256xf32> to vector<4000x128xf32>
    %swap3A_13 = arith.constant 0 : index
    %swap3A_14 = arith.constant 0 : index
    %swap3A_15 = vector.load %arg5[%swap3A_13, %swap3A_14] : memref<4000x128xf32, #tpu.memory_space<vmem>>, vector<4000x128xf32>
    tpu.vector_store %arg5[%swap3A_13, %swap3A_14], %slice3A_12 {strides = array<i32>} : memref<4000x128xf32, #tpu.memory_space<vmem>>, vector<4000x128xf32>,
    return
  }
  func.func @transform_0(%arg0: i32) -> (i32, i32) {
    %c0_i32 = arith.constant 0 : i32
    %c0_i32_0 = arith.constant 0 : i32
    return %arg0, %c0_i32 : i32, i32
  }
  func.func @transform_1(%arg0: i32) -> (i32, i32) {
    %c0_i32 = arith.constant 0 : i32
    %c0_i32_0 = arith.constant 0 : i32
    %c0_i32_1 = arith.constant 0 : i32
    return %c0_i32, %c0_i32_0 : i32, i32
  }
  func.func @transform_2(%arg0: i32) -> (i32, i32) {
    %c0_i32 = arith.constant 0 : i32
    %c0_i32_0 = arith.constant 0 : i32
    %c0_i32_1 = arith.constant 0 : i32
    return %c0_i32, %c0_i32_0 : i32, i32
  }
  func.func @transform_3(%arg0: i32) -> (i32, i32) {
    %c0_i32 = arith.constant 0 : i32
    %c0_i32_0 = arith.constant 0 : i32
    return %arg0, %c0_i32 : i32, i32
  }
  func.func @transform_4(%arg0: i32) -> (i32, i32) {
    %c0_i32 = arith.constant 0 : i32
    %c0_i32_0 = arith.constant 0 : i32
    return %arg0, %c0_i32 : i32, i32
  }
}

module attributes {stable_mosaic.version = 14 : i64} {
  func.func @_node_proj_body(%arg0: i32, %arg1: memref<2000x128xf32, #tpu.memory_space<vmem>>, %arg2: memref<128x512xf32, #tpu.memory_space<vmem>>, %arg3: memref<1x512xf32, #tpu.memory_space<vmem>>, %arg4: memref<2000x128xf32, #tpu.memory_space<vmem>>, %arg5: memref<2000x128xf32, #tpu.memory_space<vmem>>, %arg6: memref<2000x128xf32, #tpu.memory_space<vmem>>, %arg7: memref<2000x128xf32, #tpu.memory_space<vmem>>) attributes {dimension_semantics = [#tpu.dimension_semantics<arbitrary>], iteration_bounds = array<i64: 5>, scalar_prefetch = 0 : i64, scratch_operands = 0 : i64, tpu.core_type = #tpu.core_type<tc>, window_params = [{transform_indices = @transform_0, window_bounds = array<i64: 2000, 128>}, {pipeline_mode = #tpu.pipeline_mode<synchronous>, transform_indices = @transform_1, window_bounds = array<i64: 128, 512>}, {pipeline_mode = #tpu.pipeline_mode<synchronous>, transform_indices = @transform_2, window_bounds = array<i64: 1, 512>}, {transform_indices = @transform_3, window_bounds = array<i64: 2000, 128>}, {transform_indices = @transform_4, window_bounds = array<i64: 2000, 128>}, {transform_indices = @transform_5, window_bounds = array<i64: 2000, 128>}, {transform_indices = @transform_6, window_bounds = array<i64: 2000, 128>}]} {
    %get3A = arith.constant 0 : index
    %get3A_0 = arith.constant 0 : index
    %get3A_1 = vector.load %arg1[%get3A, %get3A_0] : memref<2000x128xf32, #tpu.memory_space<vmem>>, vector<2000x128xf32>
    %get3A_2 = arith.constant 0 : index
    %get3A_3 = arith.constant 0 : index
    %get3A_4 = vector.load %arg2[%get3A_2, %get3A_3] : memref<128x512xf32, #tpu.memory_space<vmem>>, vector<128x512xf32>
    %dot_general3A = arith.constant dense<0.000000e+00> : vector<2000x512xf32>
    %dot_general3A_5 = tpu.matmul %get3A_1, %get3A_4, %dot_general3A {dimension_numbers = #tpu.dot_dimension_numbers<[1], [0], [0], [1], [0, 0, 1, 1], [], []>, transpose_lhs_hint = false} : vector<2000x128xf32>, vector<128x512xf32>, vector<2000x512xf32> -> vector<2000x512xf32>
    %get3A_6 = arith.constant 0 : index
    %get3A_7 = arith.constant 0 : index
    %get3A_8 = vector.load %arg3[%get3A_6, %get3A_7] : memref<1x512xf32, #tpu.memory_space<vmem>>, vector<1x512xf32>
    %add3A = vector.broadcast %get3A_8 : vector<1x512xf32> to vector<2000x512xf32>
    %add3A_9 = arith.addf %dot_general3A_5, %add3A : vector<2000x512xf32>
    %slice3A = vector.extract_strided_slice %add3A_9 {offsets = [0, 0], sizes = [2000, 128], strides = [1, 1]} : vector<2000x512xf32> to vector<2000x128xf32>
    %swap3A = arith.constant 0 : index
    %swap3A_10 = arith.constant 0 : index
    %swap3A_11 = vector.load %arg4[%swap3A, %swap3A_10] : memref<2000x128xf32, #tpu.memory_space<vmem>>, vector<2000x128xf32>
    tpu.vector_store %arg4[%swap3A, %swap3A_10], %slice3A {strides = array<i32>} : memref<2000x128xf32, #tpu.memory_space<vmem>>, vector<2000x128xf32>,
    %slice3A_12 = vector.extract_strided_slice %add3A_9 {offsets = [0, 128], sizes = [2000, 128], strides = [1, 1]} : vector<2000x512xf32> to vector<2000x128xf32>
    %swap3A_13 = arith.constant 0 : index
    %swap3A_14 = arith.constant 0 : index
    %swap3A_15 = vector.load %arg5[%swap3A_13, %swap3A_14] : memref<2000x128xf32, #tpu.memory_space<vmem>>, vector<2000x128xf32>
    tpu.vector_store %arg5[%swap3A_13, %swap3A_14], %slice3A_12 {strides = array<i32>} : memref<2000x128xf32, #tpu.memory_space<vmem>>, vector<2000x128xf32>,
    %slice3A_16 = vector.extract_strided_slice %add3A_9 {offsets = [0, 256], sizes = [2000, 128], strides = [1, 1]} : vector<2000x512xf32> to vector<2000x128xf32>
    %swap3A_17 = arith.constant 0 : index
    %swap3A_18 = arith.constant 0 : index
    %swap3A_19 = vector.load %arg6[%swap3A_17, %swap3A_18] : memref<2000x128xf32, #tpu.memory_space<vmem>>, vector<2000x128xf32>
    tpu.vector_store %arg6[%swap3A_17, %swap3A_18], %slice3A_16 {strides = array<i32>} : memref<2000x128xf32, #tpu.memory_space<vmem>>, vector<2000x128xf32>,
    %slice3A_20 = vector.extract_strided_slice %add3A_9 {offsets = [0, 384], sizes = [2000, 128], strides = [1, 1]} : vector<2000x512xf32> to vector<2000x128xf32>
    %swap3A_21 = arith.constant 0 : index
    %swap3A_22 = arith.constant 0 : index
    %swap3A_23 = vector.load %arg7[%swap3A_21, %swap3A_22] : memref<2000x128xf32, #tpu.memory_space<vmem>>, vector<2000x128xf32>
    tpu.vector_store %arg7[%swap3A_21, %swap3A_22], %slice3A_20 {strides = array<i32>} : memref<2000x128xf32, #tpu.memory_space<vmem>>, vector<2000x128xf32>,
    return
  }
  func.func @transform_0(%arg0: i32) -> (i32, i32) {
    %c0_i32 = arith.constant 0 : i32
    %c0_i32_0 = arith.constant 0 : i32
    return %arg0, %c0_i32 : i32, i32
  }
  func.func @transform_1(%arg0: i32) -> (i32, i32) {
    %c0_i32 = arith.constant 0 : i32
    %c0_i32_0 = arith.constant 0 : i32
    %c0_i32_1 = arith.constant 0 : i32
    return %c0_i32, %c0_i32_0 : i32, i32
  }
  func.func @transform_2(%arg0: i32) -> (i32, i32) {
    %c0_i32 = arith.constant 0 : i32
    %c0_i32_0 = arith.constant 0 : i32
    %c0_i32_1 = arith.constant 0 : i32
    return %c0_i32, %c0_i32_0 : i32, i32
  }
  func.func @transform_3(%arg0: i32) -> (i32, i32) {
    %c0_i32 = arith.constant 0 : i32
    %c0_i32_0 = arith.constant 0 : i32
    return %arg0, %c0_i32 : i32, i32
  }
  func.func @transform_4(%arg0: i32) -> (i32, i32) {
    %c0_i32 = arith.constant 0 : i32
    %c0_i32_0 = arith.constant 0 : i32
    return %arg0, %c0_i32 : i32, i32
  }
  func.func @transform_5(%arg0: i32) -> (i32, i32) {
    %c0_i32 = arith.constant 0 : i32
    %c0_i32_0 = arith.constant 0 : i32
    return %arg0, %c0_i32 : i32, i32
  }
  func.func @transform_6(%arg0: i32) -> (i32, i32) {
    %c0_i32 = arith.constant 0 : i32
    %c0_i32_0 = arith.constant 0 : i32
    return %arg0, %c0_i32 : i32, i32
  }
}

module attributes {stable_mosaic.version = 14 : i64} {
  func.func @_edge_update_body(%arg0: i32, %arg1: memref<1000x128xf32, #tpu.memory_space<vmem>>, %arg2: memref<1000x128xf32, #tpu.memory_space<vmem>>, %arg3: memref<32x8x16xf32, #tpu.memory_space<vmem>>, %arg4: memref<2x16xf32, #tpu.memory_space<vmem>>, %arg5: memref<128x1024xf32, #tpu.memory_space<vmem>>, %arg6: memref<1000x128xf32, #tpu.memory_space<vmem>>, %arg7: memref<2x1000x512xf32, #tpu.memory_space<vmem>>) attributes {dimension_semantics = [#tpu.dimension_semantics<arbitrary>], iteration_bounds = array<i64: 40>, scalar_prefetch = 0 : i64, scratch_operands = 0 : i64, tpu.core_type = #tpu.core_type<tc>, window_params = [{transform_indices = @transform_0, window_bounds = array<i64: 1000, 128>}, {transform_indices = @transform_1, window_bounds = array<i64: 1000, 128>}, {pipeline_mode = #tpu.pipeline_mode<synchronous>, transform_indices = @transform_2, window_bounds = array<i64: 32, 8, 16>}, {pipeline_mode = #tpu.pipeline_mode<synchronous>, transform_indices = @transform_3, window_bounds = array<i64: 2, 16>}, {pipeline_mode = #tpu.pipeline_mode<synchronous>, transform_indices = @transform_4, window_bounds = array<i64: 128, 1024>}, {transform_indices = @transform_5, window_bounds = array<i64: 1000, 128>}, {transform_indices = @transform_6, window_bounds = array<i64: 2, 1000, 512>}]} {
    %get3A = arith.constant 0 : index
    %get3A_0 = arith.constant 0 : index
    %get3A_1 = arith.constant 0 : index
    %get3A_2 = vector.load %arg3[%get3A, %get3A_0, %get3A_1] : memref<32x8x16xf32, #tpu.memory_space<vmem>>, vector<32x1x16xf32>
    %get3A_3 = vector.shape_cast %get3A_2 : vector<32x1x16xf32> to vector<32x16xf32>
    %reduce_sum3A = arith.constant dense<0.000000e+00> : vector<16xf32>
    %reduce_sum3A_4 = vector.multi_reduction <add>, %get3A_3, %reduce_sum3A [0] : vector<32x16xf32> to vector<16xf32>
    %broadcast_in_dim3A = vector.shape_cast %reduce_sum3A_4 : vector<16xf32> to vector<1x16xf32>
    %get3A_5 = arith.constant 0 : index
    %get3A_6 = arith.constant 1 : index
    %get3A_7 = arith.constant 0 : index
    %get3A_8 = vector.load %arg3[%get3A_5, %get3A_6, %get3A_7] : memref<32x8x16xf32, #tpu.memory_space<vmem>>, vector<32x1x16xf32>
    %get3A_9 = vector.shape_cast %get3A_8 : vector<32x1x16xf32> to vector<32x16xf32>
    %reduce_sum3A_10 = arith.constant dense<0.000000e+00> : vector<16xf32>
    %reduce_sum3A_11 = vector.multi_reduction <add>, %get3A_9, %reduce_sum3A_10 [0] : vector<32x16xf32> to vector<16xf32>
    %broadcast_in_dim3A_12 = vector.shape_cast %reduce_sum3A_11 : vector<16xf32> to vector<1x16xf32>
    %mul3A = arith.constant 3.125000e-06 : f32
    %mul3A_13 = vector.broadcast %mul3A : f32 to vector<1x16xf32>
    %mul3A_14 = arith.mulf %broadcast_in_dim3A, %mul3A_13 : vector<1x16xf32>
    %mul3A_15 = arith.constant 3.125000e-06 : f32
    %mul3A_16 = vector.broadcast %mul3A_15 : f32 to vector<1x16xf32>
    %mul3A_17 = arith.mulf %broadcast_in_dim3A_12, %mul3A_16 : vector<1x16xf32>
    %mul3A_18 = arith.mulf %mul3A_14, %mul3A_14 : vector<1x16xf32>
    %sub3A = arith.subf %mul3A_17, %mul3A_18 : vector<1x16xf32>
    %add3A = arith.constant 9.99999974E-6 : f32
    %add3A_19 = vector.broadcast %add3A : f32 to vector<1x16xf32>
    %add3A_20 = arith.addf %sub3A, %add3A_19 : vector<1x16xf32>
    %sqrt3A = math.sqrt %add3A_20 : vector<1x16xf32>
    %div3A = arith.constant 1.000000e+00 : f32
    %div3A_21 = vector.broadcast %div3A : f32 to vector<1x16xf32>
    %div3A_22 = arith.divf %div3A_21, %sqrt3A : vector<1x16xf32>
    %concatenate3A = tpu.concatenate %mul3A_14, %mul3A_14, %mul3A_14, %mul3A_14, %mul3A_14, %mul3A_14, %mul3A_14, %mul3A_14 in 1 : vector<1x16xf32>, vector<1x16xf32>, vector<1x16xf32>, vector<1x16xf32>, vector<1x16xf32>, vector<1x16xf32>, vector<1x16xf32>, vector<1x16xf32> -> vector<1x128xf32>
    %concatenate3A_23 = tpu.concatenate %div3A_22, %div3A_22, %div3A_22, %div3A_22, %div3A_22, %div3A_22, %div3A_22, %div3A_22 in 1 : vector<1x16xf32>, vector<1x16xf32>, vector<1x16xf32>, vector<1x16xf32>, vector<1x16xf32>, vector<1x16xf32>, vector<1x16xf32>, vector<1x16xf32> -> vector<1x128xf32>
    %get3A_24 = arith.constant 0 : index
    %get3A_25 = arith.constant 0 : index
    %get3A_26 = vector.load %arg4[%get3A_24, %get3A_25] : memref<2x16xf32, #tpu.memory_space<vmem>>, vector<1x16xf32>
    %concatenate3A_27 = tpu.concatenate %get3A_26, %get3A_26, %get3A_26, %get3A_26, %get3A_26, %get3A_26, %get3A_26, %get3A_26 in 1 : vector<1x16xf32>, vector<1x16xf32>, vector<1x16xf32>, vector<1x16xf32>, vector<1x16xf32>, vector<1x16xf32>, vector<1x16xf32>, vector<1x16xf32> -> vector<1x128xf32>
    %get3A_28 = arith.constant 1 : index
    %get3A_29 = arith.constant 0 : index
    %get3A_30 = vector.load %arg4[%get3A_28, %get3A_29] : memref<2x16xf32, #tpu.memory_space<vmem>>, vector<1x16xf32>
    %concatenate3A_31 = tpu.concatenate %get3A_30, %get3A_30, %get3A_30, %get3A_30, %get3A_30, %get3A_30, %get3A_30, %get3A_30 in 1 : vector<1x16xf32>, vector<1x16xf32>, vector<1x16xf32>, vector<1x16xf32>, vector<1x16xf32>, vector<1x16xf32>, vector<1x16xf32>, vector<1x16xf32> -> vector<1x128xf32>
    %get3A_32 = arith.constant 0 : index
    %get3A_33 = arith.constant 0 : index
    %get3A_34 = vector.load %arg1[%get3A_32, %get3A_33] : memref<1000x128xf32, #tpu.memory_space<vmem>>, vector<1000x128xf32>
    %sub3A_35 = vector.broadcast %concatenate3A : vector<1x128xf32> to vector<1000x128xf32>
    %sub3A_36 = arith.subf %get3A_34, %sub3A_35 : vector<1000x128xf32>
    %mul3A_37 = vector.broadcast %concatenate3A_23 : vector<1x128xf32> to vector<1000x128xf32>
    %mul3A_38 = arith.mulf %sub3A_36, %mul3A_37 : vector<1000x128xf32>
    %mul3A_39 = vector.broadcast %concatenate3A_27 : vector<1x128xf32> to vector<1000x128xf32>
    %mul3A_40 = arith.mulf %mul3A_38, %mul3A_39 : vector<1000x128xf32>
    %add3A_41 = vector.broadcast %concatenate3A_31 : vector<1x128xf32> to vector<1000x128xf32>
    %add3A_42 = arith.addf %mul3A_40, %add3A_41 : vector<1000x128xf32>
    %get3A_43 = arith.constant 0 : index
    %get3A_44 = arith.constant 0 : index
    %get3A_45 = vector.load %arg2[%get3A_43, %get3A_44] : memref<1000x128xf32, #tpu.memory_space<vmem>>, vector<1000x128xf32>
    %max3A = arith.constant 0.000000e+00 : f32
    %max3A_46 = vector.broadcast %max3A : f32 to vector<1000x128xf32>
    %max3A_47 = arith.maximumf %add3A_42, %max3A_46 : vector<1000x128xf32>
    %add3A_48 = arith.addf %get3A_45, %max3A_47 : vector<1000x128xf32>
    %swap3A = arith.constant 0 : index
    %swap3A_49 = arith.constant 0 : index
    %swap3A_50 = vector.load %arg6[%swap3A, %swap3A_49] : memref<1000x128xf32, #tpu.memory_space<vmem>>, vector<1000x128xf32>
    tpu.vector_store %arg6[%swap3A, %swap3A_49], %add3A_48 {strides = array<i32>} : memref<1000x128xf32, #tpu.memory_space<vmem>>, vector<1000x128xf32>,
    %logistic3A = arith.negf %add3A_48 : vector<1000x128xf32>
    %logistic3A_51 = math.exp %logistic3A : vector<1000x128xf32>
    %logistic3A_52 = arith.constant 1.000000e+00 : f32
    %logistic3A_53 = vector.broadcast %logistic3A_52 : f32 to vector<1000x128xf32>
    %logistic3A_54 = arith.addf %logistic3A_53, %logistic3A_51 : vector<1000x128xf32>
    %logistic3A_55 = arith.divf %logistic3A_53, %logistic3A_54 : vector<1000x128xf32>
    %get3A_56 = arith.constant 0 : index
    %get3A_57 = arith.constant 0 : index
    %get3A_58 = vector.load %arg5[%get3A_56, %get3A_57] : memref<128x1024xf32, #tpu.memory_space<vmem>>, vector<128x1024xf32>
    %dot_general3A = arith.constant dense<0.000000e+00> : vector<1000x1024xf32>
    %dot_general3A_59 = tpu.matmul %logistic3A_55, %get3A_58, %dot_general3A {dimension_numbers = #tpu.dot_dimension_numbers<[1], [0], [0], [1], [0, 0, 1, 1], [], []>, transpose_lhs_hint = false} : vector<1000x128xf32>, vector<128x1024xf32>, vector<1000x1024xf32> -> vector<1000x1024xf32>
    %slice3A = vector.extract_strided_slice %dot_general3A_59 {offsets = [0, 0], sizes = [1000, 512], strides = [1, 1]} : vector<1000x1024xf32> to vector<1000x512xf32>
    %swap3A_60 = arith.constant 0 : index
    %swap3A_61 = arith.constant 0 : index
    %swap3A_62 = arith.constant 0 : index
    %swap3A_63 = vector.load %arg7[%swap3A_60, %swap3A_61, %swap3A_62] : memref<2x1000x512xf32, #tpu.memory_space<vmem>>, vector<1x1000x512xf32>
    %swap3A_64 = vector.shape_cast %swap3A_63 : vector<1x1000x512xf32> to vector<1000x512xf32>
    %swap3A_65 = vector.shape_cast %slice3A : vector<1000x512xf32> to vector<1x1000x512xf32>
    tpu.vector_store %arg7[%swap3A_60, %swap3A_61, %swap3A_62], %swap3A_65 {strides = array<i32>} : memref<2x1000x512xf32, #tpu.memory_space<vmem>>, vector<1x1000x512xf32>,
    %slice3A_66 = vector.extract_strided_slice %dot_general3A_59 {offsets = [0, 512], sizes = [1000, 512], strides = [1, 1]} : vector<1000x1024xf32> to vector<1000x512xf32>
    %swap3A_67 = arith.constant 1 : index
    %swap3A_68 = arith.constant 0 : index
    %swap3A_69 = arith.constant 0 : index
    %swap3A_70 = vector.load %arg7[%swap3A_67, %swap3A_68, %swap3A_69] : memref<2x1000x512xf32, #tpu.memory_space<vmem>>, vector<1x1000x512xf32>
    %swap3A_71 = vector.shape_cast %swap3A_70 : vector<1x1000x512xf32> to vector<1000x512xf32>
    %swap3A_72 = vector.shape_cast %slice3A_66 : vector<1000x512xf32> to vector<1x1000x512xf32>
    tpu.vector_store %arg7[%swap3A_67, %swap3A_68, %swap3A_69], %swap3A_72 {strides = array<i32>} : memref<2x1000x512xf32, #tpu.memory_space<vmem>>, vector<1x1000x512xf32>,
    return
  }
  func.func @transform_0(%arg0: i32) -> (i32, i32) {
    %c0_i32 = arith.constant 0 : i32
    %c0_i32_0 = arith.constant 0 : i32
    return %arg0, %c0_i32 : i32, i32
  }
  func.func @transform_1(%arg0: i32) -> (i32, i32) {
    %c0_i32 = arith.constant 0 : i32
    %c0_i32_0 = arith.constant 0 : i32
    return %arg0, %c0_i32 : i32, i32
  }
  func.func @transform_2(%arg0: i32) -> (i32, i32, i32) {
    %c0_i32 = arith.constant 0 : i32
    %c0_i32_0 = arith.constant 0 : i32
    %c0_i32_1 = arith.constant 0 : i32
    %c0_i32_2 = arith.constant 0 : i32
    return %c0_i32, %c0_i32_0, %c0_i32_1 : i32, i32, i32
  }
  func.func @transform_3(%arg0: i32) -> (i32, i32) {
    %c0_i32 = arith.constant 0 : i32
    %c0_i32_0 = arith.constant 0 : i32
    %c0_i32_1 = arith.constant 0 : i32
    return %c0_i32, %c0_i32_0 : i32, i32
  }
  func.func @transform_4(%arg0: i32) -> (i32, i32) {
    %c0_i32 = arith.constant 0 : i32
    %c0_i32_0 = arith.constant 0 : i32
    %c0_i32_1 = arith.constant 0 : i32
    return %c0_i32, %c0_i32_0 : i32, i32
  }
  func.func @transform_5(%arg0: i32) -> (i32, i32) {
    %c0_i32 = arith.constant 0 : i32
    %c0_i32_0 = arith.constant 0 : i32
    return %arg0, %c0_i32 : i32, i32
  }
  func.func @transform_6(%arg0: i32) -> (i32, i32, i32) {
    %c0_i32 = arith.constant 0 : i32
    %c0_i32_0 = arith.constant 0 : i32
    %c0_i32_1 = arith.constant 0 : i32
    return %c0_i32, %arg0, %c0_i32_0 : i32, i32, i32
  }
}

module attributes {stable_mosaic.version = 14 : i64} {
  func.func @_node_update_body(%arg0: memref<10000x128xf32, #tpu.memory_space<vmem>>, %arg1: memref<10000x128xf32, #tpu.memory_space<vmem>>, %arg2: memref<2x10000x128xf32, #tpu.memory_space<vmem>>, %arg3: memref<2x128xf32, #tpu.memory_space<vmem>>, %arg4: memref<10000x128xf32, #tpu.memory_space<vmem>>) attributes {dimension_semantics = [], scalar_prefetch = 0 : i64, scratch_operands = 0 : i64, tpu.core_type = #tpu.core_type<tc>} {
    %get3A = arith.constant 0 : index
    %get3A_0 = arith.constant 0 : index
    %get3A_1 = arith.constant 0 : index
    %get3A_2 = vector.load %arg2[%get3A, %get3A_0, %get3A_1] : memref<2x10000x128xf32, #tpu.memory_space<vmem>>, vector<1x10000x64xf32>
    %get3A_3 = vector.shape_cast %get3A_2 : vector<1x10000x64xf32> to vector<10000x64xf32>
    %get3A_4 = arith.constant 1 : index
    %get3A_5 = arith.constant 0 : index
    %get3A_6 = arith.constant 0 : index
    %get3A_7 = vector.load %arg2[%get3A_4, %get3A_5, %get3A_6] : memref<2x10000x128xf32, #tpu.memory_space<vmem>>, vector<1x10000x64xf32>
    %get3A_8 = vector.shape_cast %get3A_7 : vector<1x10000x64xf32> to vector<10000x64xf32>
    %concatenate3A = tpu.concatenate %get3A_3, %get3A_8 in 1 : vector<10000x64xf32>, vector<10000x64xf32> -> vector<10000x128xf32>
    %get3A_9 = arith.constant 0 : index
    %get3A_10 = arith.constant 0 : index
    %get3A_11 = arith.constant 64 : index
    %get3A_12 = vector.load %arg2[%get3A_9, %get3A_10, %get3A_11] : memref<2x10000x128xf32, #tpu.memory_space<vmem>>, vector<1x10000x64xf32>
    %get3A_13 = vector.shape_cast %get3A_12 : vector<1x10000x64xf32> to vector<10000x64xf32>
    %get3A_14 = arith.constant 1 : index
    %get3A_15 = arith.constant 0 : index
    %get3A_16 = arith.constant 64 : index
    %get3A_17 = vector.load %arg2[%get3A_14, %get3A_15, %get3A_16] : memref<2x10000x128xf32, #tpu.memory_space<vmem>>, vector<1x10000x64xf32>
    %get3A_18 = vector.shape_cast %get3A_17 : vector<1x10000x64xf32> to vector<10000x64xf32>
    %concatenate3A_19 = tpu.concatenate %get3A_13, %get3A_18 in 1 : vector<10000x64xf32>, vector<10000x64xf32> -> vector<10000x128xf32>
    %get3A_20 = arith.constant 0 : index
    %get3A_21 = arith.constant 0 : index
    %get3A_22 = vector.load %arg1[%get3A_20, %get3A_21] : memref<10000x128xf32, #tpu.memory_space<vmem>>, vector<10000x128xf32>
    %add3A = arith.constant 9.99999974E-6 : f32
    %add3A_23 = vector.broadcast %add3A : f32 to vector<10000x128xf32>
    %add3A_24 = arith.addf %concatenate3A_19, %add3A_23 : vector<10000x128xf32>
    %div3A = arith.divf %concatenate3A, %add3A_24 : vector<10000x128xf32>
    %add3A_25 = arith.addf %get3A_22, %div3A : vector<10000x128xf32>
    %reduce_sum3A = arith.constant dense<0.000000e+00> : vector<128xf32>
    %reduce_sum3A_26 = vector.multi_reduction <add>, %add3A_25, %reduce_sum3A [0] : vector<10000x128xf32> to vector<128xf32>
    %broadcast_in_dim3A = vector.shape_cast %reduce_sum3A_26 : vector<128xf32> to vector<1x128xf32>
    %div3A_27 = arith.constant 1.000000e+04 : f32
    %div3A_28 = vector.broadcast %div3A_27 : f32 to vector<1x128xf32>
    %div3A_29 = arith.divf %broadcast_in_dim3A, %div3A_28 : vector<1x128xf32>
    %sub3A = vector.broadcast %div3A_29 : vector<1x128xf32> to vector<10000x128xf32>
    %sub3A_30 = arith.subf %add3A_25, %sub3A : vector<10000x128xf32>
    %integer_pow3A = arith.mulf %sub3A_30, %sub3A_30 : vector<10000x128xf32>
    %reduce_sum3A_31 = arith.constant dense<0.000000e+00> : vector<128xf32>
    %reduce_sum3A_32 = vector.multi_reduction <add>, %integer_pow3A, %reduce_sum3A_31 [0] : vector<10000x128xf32> to vector<128xf32>
    %broadcast_in_dim3A_33 = vector.shape_cast %reduce_sum3A_32 : vector<128xf32> to vector<1x128xf32>
    %div3A_34 = arith.constant 1.000000e+04 : f32
    %div3A_35 = vector.broadcast %div3A_34 : f32 to vector<1x128xf32>
    %div3A_36 = arith.divf %broadcast_in_dim3A_33, %div3A_35 : vector<1x128xf32>
    %sub3A_37 = vector.broadcast %div3A_29 : vector<1x128xf32> to vector<10000x128xf32>
    %sub3A_38 = arith.subf %add3A_25, %sub3A_37 : vector<10000x128xf32>
    %add3A_39 = arith.constant 9.99999974E-6 : f32
    %add3A_40 = vector.broadcast %add3A_39 : f32 to vector<1x128xf32>
    %add3A_41 = arith.addf %div3A_36, %add3A_40 : vector<1x128xf32>
    %rsqrt3A = math.rsqrt %add3A_41 : vector<1x128xf32>
    %mul3A = vector.broadcast %rsqrt3A : vector<1x128xf32> to vector<10000x128xf32>
    %mul3A_42 = arith.mulf %sub3A_38, %mul3A : vector<10000x128xf32>
    %get3A_43 = arith.constant 0 : index
    %get3A_44 = arith.constant 0 : index
    %get3A_45 = vector.load %arg3[%get3A_43, %get3A_44] : memref<2x128xf32, #tpu.memory_space<vmem>>, vector<1x128xf32>
    %mul3A_46 = vector.broadcast %get3A_45 : vector<1x128xf32> to vector<10000x128xf32>
    %mul3A_47 = arith.mulf %mul3A_42, %mul3A_46 : vector<10000x128xf32>
    %get3A_48 = arith.constant 1 : index
    %get3A_49 = arith.constant 0 : index
    %get3A_50 = vector.load %arg3[%get3A_48, %get3A_49] : memref<2x128xf32, #tpu.memory_space<vmem>>, vector<1x128xf32>
    %add3A_51 = vector.broadcast %get3A_50 : vector<1x128xf32> to vector<10000x128xf32>
    %add3A_52 = arith.addf %mul3A_47, %add3A_51 : vector<10000x128xf32>
    %get3A_53 = arith.constant 0 : index
    %get3A_54 = arith.constant 0 : index
    %get3A_55 = vector.load %arg0[%get3A_53, %get3A_54] : memref<10000x128xf32, #tpu.memory_space<vmem>>, vector<10000x128xf32>
    %max3A = arith.constant 0.000000e+00 : f32
    %max3A_56 = vector.broadcast %max3A : f32 to vector<10000x128xf32>
    %max3A_57 = arith.maximumf %add3A_52, %max3A_56 : vector<10000x128xf32>
    %add3A_58 = arith.addf %get3A_55, %max3A_57 : vector<10000x128xf32>
    %swap3A = arith.constant 0 : index
    %swap3A_59 = arith.constant 0 : index
    %swap3A_60 = vector.load %arg4[%swap3A, %swap3A_59] : memref<10000x128xf32, #tpu.memory_space<vmem>>, vector<10000x128xf32>
    tpu.vector_store %arg4[%swap3A, %swap3A_59], %add3A_58 {strides = array<i32>} : memref<10000x128xf32, #tpu.memory_space<vmem>>, vector<10000x128xf32>,
    return
  }
}

</mosaic_0001>

<sc_bundles>
// kernel: kernel.11.cloned.1.call-start
scs
__scs_entry_jumppad:
0x0: {  	(pc) =	sbr.rel $0x88, $3  }
0x1: {  	(tag) =	ssettag $0x0;
	lr =	simm.s32 $0x1  }
0x2: {  	[smem:$0x3F8D] =	sst lr;
	_ =	strace $0xD0000000  }
0x3: {  	_ = 	snop  }
0x4: {  	_ = 	snop  }
0x5: {  	_ = 	snop  }
0x6: {  	_ = 	snop  }
0x7: {  	_ = 	snop  }
__scs_overlays_trampoline_lowered:
0x8: {  	[smem:$0x3F9C] =	sst s0  }
0x9: {  	[smem:$0x3F9D] =	sst s1  }
0xa: {  	[smem:$0x3F9E] =	sst s2  }
0xb: {  	[smem:$0x3F9F] =	sst s3  }
0xc: {  	[smem:$0x3FA0] =	sst s4  }
0xd: {  	[smem:$0x3FA1] =	sst s5  }
0xe: {  	[smem:$0x3FA2] =	sst s6  }
0xf: {  	[smem:$0x3FA3] =	sst s7  }
0x10: {  	[smem:$0x3FA4] =	sst s8  }
0x11: {  	[smem:$0x3FA5] =	sst s9;
	s0 =	simm.s32 @!p0 $0x0  }
0x12: {  	s1 =	sld [smem:$0x3F8B];
	s0 =	simm.s32 @p0 $0x1  }
0x13: {  	[smem:$0x3FA6] =	sst s0;
	s0 =	simm.s32 @!p1 $0x0  }
0x14: {  	s2 =	sld [smem:$0x3F8A];
	s0 =	simm.s32 @p1 $0x1  }
0x15: {  	[smem:$0x3FA7] =	sst s0;
	s0 =	simm.s32 @!p2 $0x0  }
0x16: {  	s3 =	sld [smem:$0x3FDB];
	s0 =	simm.s32 @p2 $0x1  }
0x17: {  	s4 =	simm.s32 $0x1BF5;
	[smem:$0x3FA9] =	sst s0  }
0x18: {  	s0 =	sld [smem:$0x3F8C];
	_ =	swait.ge [sflag:s4], $0x0  }
0x19: {  	s7 =	sld [smem:$0x3F8D]  }
0x1a: {  	s8 =	sadd.s32 $0xFFFFE003, lr  }
0x1b: {  	s9 =	sadd.s32 $0xFFFFFEF7, lr;
	s5 =	simm.s32 $0xFFFFFFFF;
	p2 =	slt.u32 s8, $0xFFFFF086  }
0x1c: {  	p1 =	slt.u32 s9, $0xF7A;
	s5 =	simm.s32 @!p2 $0x0  }
0x1d: {  	s5 =	simm.s32 @p1 $0x1;
	p0 =	seq.s32 s7, s2  }
0x1e: {  	s7 =	smul.u32 @!p0 $0xF7A, s2;
	p2 =	seq.s32 @!p0 s5, $0x0  }
0x1f: {  	s9 =	smul.u32 $0xF7A, s1;
	s8 =	simm.s32 @!p0 $0x1BF5;
	p2 =	por !p2, p0  }
0x20: {  	[sflag:s8] =	ssyncset.s32 @!p0 $0xFFFFF086;
	s6 =	sadd.s32 @!p0 s3, s7;
	s7 =	simm.s32 @!p0 $0x108  }
0x21: {  	s3 =	sadd.s32 s3, s9;
	s6 =	sadd.s32 @!p0 $0x88, s6;
	s7 =	simm.s32 @p2 $0x1082  }
0x22: {  	[simem:s7], [sflag:s8] =	dma.local @!p0 [hbm:s6], $0xF7A  }
0x23: {  	s9 =	sor.u32 $0xD0000000, s2;
	s6 =	simm.s32 $0x108;
	_ =	swait.ge @!p0 [sflag:s8], $0x0  }
0x24: {  	s3 =	sadd.s32 $0x88, s3;
	s6 =	simm.s32 @!p1 $0x1082;
	[sflag:s4] =	ssyncset.s32 $0xFFFFF086  }
0x25: {  	[simem:s6], [sflag:s4] =	dma.local [hbm:s3], $0xF7A  }
0x26: {  	[smem:$0x3F8D] =	sst s1;
	(tag) =	ssettag s2;
	_ =	strace s9  }
0x27: {  	s1 =	sld [smem:$0x3F9D]  }
0x28: {  	s2 =	sld [smem:$0x3F9E]  }
0x29: {  	s4 =	sld [smem:$0x3FA0]  }
0x2a: {  	p0 =	seq.s32 s5, $0x0;
	s5 =	sld [smem:$0x3FA1]  }
0x2b: {  	s6 =	sld [smem:$0x3FA2]  }
0x2c: {  	s7 =	sld [smem:$0x3FA3]  }
0x2d: {  	s3 =	simm.s32 $0x108;
	s8 =	sld [smem:$0x3FA4]  }
0x2e: {  	s3 =	simm.s32 @!p0 $0x1082;
	s9 =	sld [smem:$0x3FA5]  }
0x2f: {  	lr =	sadd.s32 s0, s3;
	s0 =	sld [smem:$0x3F9C]  }
0x30: {  	s3 =	sld [smem:$0x3F9F]  }
0x31: {  	[smem:$0x3FA8] =	sst s10  }
0x32: {  	s10 =	sld [smem:$0x3FA6];
	_ =	sdelay $0x3  }
0x33: {  	p0 =	seq.s32 s10, $0x1;
	s10 =	sld [smem:$0x3FA8];
	_ =	sdelay $0x3  }
0x34: {  	[smem:$0x3FA8] =	sst s10  }
0x35: {  	s10 =	sld [smem:$0x3FA7];
	_ =	sdelay $0x3  }
0x36: {  	p1 =	seq.s32 s10, $0x1;
	s10 =	sld [smem:$0x3FA8];
	_ =	sdelay $0x3  }
0x37: {  	[smem:$0x3FA8] =	sst s10  }
0x38: {  	s10 =	sld [smem:$0x3FA9]  }
0x39: {  	_ = 	snop;
	(pc) =	sbr.ind lr, $3  }
0x3a: {  	_ = 	snop  }
0x3b: {  	_ = 	snop  }
0x3c: {  	p2 =	seq.s32 s10, $0x1;
	s10 =	sld [smem:$0x3FA8]  }
0x3d: {  	_ =	shalt  }
0x3e: {  	_ =	shalt  }
0x3f: {  	_ =	shalt  }
0x40: {  	_ =	shalt  }
0x41: {  	_ =	shalt  }
0x42: {  	_ =	shalt  }
0x43: {  	_ =	shalt  }
0x44: {  	_ =	shalt  }
0x45: {  	_ =	shalt  }
0x46: {  	_ =	shalt  }
0x47: {  	_ =	shalt  }
0x48: {  	_ =	shalt  }
0x49: {  	_ =	shalt  }
0x4a: {  	_ =	shalt  }
0x4b: {  	_ =	shalt  }
0x4c: {  	_ =	shalt  }
0x4d: {  	_ =	shalt  }
0x4e: {  	_ =	shalt  }
0x4f: {  	_ =	shalt  }
0x50: {  	_ =	shalt  }
0x51: {  	_ =	shalt  }
0x52: {  	_ =	shalt  }
0x53: {  	_ =	shalt  }
0x54: {  	_ =	shalt  }
0x55: {  	_ =	shalt  }
0x56: {  	_ =	shalt  }
0x57: {  	_ =	shalt  }
0x58: {  	_ =	shalt  }
0x59: {  	_ =	shalt  }
0x5a: {  	_ =	shalt  }
0x5b: {  	_ =	shalt  }
0x5c: {  	_ =	shalt  }
0x5d: {  	_ =	shalt  }
0x5e: {  	_ =	shalt  }
0x5f: {  	_ =	shalt  }
0x60: {  	_ =	shalt  }
0x61: {  	_ =	shalt  }
0x62: {  	_ =	shalt  }
0x63: {  	_ =	shalt  }
0x64: {  	_ =	shalt  }
0x65: {  	_ =	shalt  }
0x66: {  	_ =	shalt  }
0x67: {  	_ =	shalt  }
0x68: {  	_ =	shalt  }
0x69: {  	_ =	shalt  }
0x6a: {  	_ =	shalt  }
0x6b: {  	_ =	shalt  }
0x6c: {  	_ =	shalt  }
0x6d: {  	_ =	shalt  }
0x6e: {  	_ =	shalt  }
0x6f: {  	_ =	shalt  }
0x70: {  	_ =	shalt  }
0x71: {  	_ =	shalt  }
0x72: {  	_ =	shalt  }
0x73: {  	_ =	shalt  }
0x74: {  	_ =	shalt  }
0x75: {  	_ =	shalt  }
0x76: {  	_ =	shalt  }
0x77: {  	_ =	shalt  }
0x78: {  	_ =	shalt  }
0x79: {  	_ =	shalt  }
0x7a: {  	_ =	shalt  }
0x7b: {  	_ =	shalt  }
0x7c: {  	_ =	shalt  }
0x7d: {  	_ =	shalt  }
0x7e: {  	_ =	shalt  }
0x7f: {  	_ =	shalt  }
0x80: {  	_ =	shalt  }
0x81: {  	_ =	shalt  }
0x82: {  	_ =	shalt  }
0x83: {  	_ =	shalt  }
0x84: {  	_ =	shalt  }
0x85: {  	_ =	shalt  }
0x86: {  	_ =	shalt  }
0x87: {  	_ =	shalt  }
.Lfunc_end0:
.L_simem_size_0:
called_computation.1_lowered:
.L_overlay_start_0:
0x88: {  	s2 =	sld [smem:$0x3FD9]  }
0x89: {  	s3 =	sld [smem:$0x3FFE];
	_ =	sdelay $0x1  }
0x8a: {  	s1 =	srdreg.scid  }
0x8b: {  	s0 =	sand.u32 $0x1, s1  }
0x8c: {  	s17 =	sshll.u32 s0, $0xA;
	s2 =	sadd.s32 s3, s2  }
0x8d: {  	s2 =	sadd.s32 s2, s17  }
0x8e: {  	[smem:$0x3FB4] =	sst s2  }
0x8f: {  	_ = 	snop  }
0x90: {  	s2 =	sld [smem:$0x3FC7];
	(tm) =	ssettm $0x1  }
0x91: {  	s18 =	sld [smem:$0x3FFB];
	_ =	sdelay $0x3  }
0x92: {  	_ =	strace s18  }
0x93: {  	s3 =	sld [smem:$0x3FFC];
	_ =	sdelay $0x3  }
0x94: {  	_ =	strace s3  }
0x95: {  	s3 =	sld [smem:$0x3FFD];
	_ =	sdelay $0x3  }
0x96: {  	_ =	strace s3  }
0x97: {  	_ =	strace $0x8FFFFFFF  }
0x98: {  	s19 =	sld [smem:$0x3FDB];
	_ =	sdelay $0x1  }
0x99: {  	s4 =	simm.s32 $_scs_section_size  }
0x9a: {  	s5 =	simm.s32 $_size__tile_overlayer_lowered;
	s6 =	simm.s32 $_tile_overlayer_lowered  }
0x9b: {  	s22 =	simm.s32 $0x1BFF;
	s21 =	sshll.u32 s6, $0x1;
	s3 =	sadd.s32 s4, s19  }
0x9c: {  	s7 =	simm.s32 $0x0;
	s20 =	sshll.u32 s5, $0x1;
	s5 =	sadd.s32 s21, s3  }
0x9d: {  	[timem:s7], [sflag:s22] =	dma.local [hbm:s5], s20  }
0x9e: {  	_ =	swait.ge [sflag:s22], s20  }
0x9f: {  	s4 =	ssub.s32 $0x0, s20;
	[sflag:s22] =	ssyncset.done $0x0  }
0xa0: {  	[sflag:s22] =	ssyncadd.s32 s4;
	_ =	sdelay $0x1  }
0xa1: {  	s23 =	simm.s32 $0x1B8B  }
0xa2: {  	_ =	swait.ge [sflag:s23], $0x1  }
0xa3: {  	[sflag:s23] =	ssyncset.done $0x0  }
0xa4: {  	s25 =	simm.s32 $0x1B8E;
	s24 =	sld [smem:$0x3FFE];
	[sflag:s23] =	ssyncadd.s32 $0xFFFFFFFF  }
0xa5: {  	s26 =	simm.s32 $execute0_lowered;
	[smem:$0x3FD2] =	sst s25  }
0xa6: {  	s5 =	sshll.u32 s26, $0x1;
	_ =	strace $0x80000049;
	[dreg:$0x1] =	wrdreg $0xFFFFFFFF  }
0xa7: {  	s28 =	simm.s32 $_size_execute0_lowered;
	s3 =	sadd.s32 s3, s5;
	[dreg:$0x0] =	wrdreg $0x0  }
0xa8: {  	s5 =	sshll.u32 s28, $0x1;
	[dreg:$0x2] =	wrdreg s3  }
0xa9: {  	[dreg:$0x3] =	wrdreg s5  }
0xaa: {  	[dreg:$0x4] =	wrdreg $0xC0  }
0xab: {  	_ =	task [dreg:s7], $0x5FFFF  }
0xac: {  	[dreg:$0x1] =	wrdreg $0xFFFFFFFF  }
0xad: {  	[dreg:$0x0] =	wrdreg $0x60  }
0xae: {  	[dreg:$0x2] =	wrdreg s24  }
0xaf: {  	[dreg:$0x3] =	wrdreg s2  }
0xb0: {  	[dreg:$0x4] =	wrdreg $0x0  }
0xb1: {  	[dreg:$0x5] =	wrdreg $0x9  }
0xb2: {  	_ =	task.clear_ibuf [dreg:s7], $0x6FFFF;
	_ =	strace $0x90000049  }
0xb3: {  	s29 =	simm.s32 $0x9;
	_ =	strace $0x8000004B  }
0xb4: {  	_ =	swait.ge [sflag:s29], $0x1  }
0xb5: {  	[sflag:s29] =	ssyncadd.s32 $0xFFFFFFFF  }
0xb6: {  	_ =	strace $0x9000004B  }
0xb7: {  	_ =	sfence  }
0xb8: {  	s30 =	sld [smem:$0x0];
	_ =	sdelay $0x2  }
0xb9: {  	s31 =	sshll.u32 s1, $0xD;
	s1 =	sshrl.u32 s1, $0x2  }
0xba: {  	s3 =	sand.u32 $0x4000, s31;
	s1 =	sadd.s32 s1, s30  }
0xbb: {  	s0 =	sor.u32 s3, s0;
	s1 =	sshll.u32 s1, $0x11  }
0xbc: {  	s0 =	sor.u32 s1, s0  }
0xbd: {  	s0 =	sadd.s32 $0x8F2B, s0  }
0xbe: {  	[sflag:s0] =	ssyncadd.remote.s32 $0x1  }
0xbf: {  	_ =	sfence.sel $0xFFFF  }
0xc0: {  	[dreg:$0x0] =	wrdreg $0xFFFFFFFF;
	(pc) =	sbr.abs _section_cstart, $3  }
0xc1: {  	[dreg:$0x1] =	wrdreg $0xFFFFFFFF  }
0xc2: {  	_ =	task.clear_ibuf [dreg:s7], $0x2FFFF;
	_ =	strace $0x9FFFFFFF  }
0xc3: {  	(tm) =	ssettm $0x7FFFFFFF  }
tec
execute0_lowered:
.L_overlay_start_1:
0x0: {  	(tag) =	ssettag $0x1  }
0x1: {  	s0 =	rddreg [dreg:$0x0]  }
0x2: {  	s1 =	rddreg [dreg:$0x1]  }
0x3: {  	s2 =	rddreg [dreg:$0x2];
	s3 =	simm.s32 $0x0;
	s4 =	stileid.u32  }
0x4: {  	s6 =	srdreg.scid;
	s28 =	simm.s32 $0x13980;
	s31 =	simm.s32 $0x13A00  }
0x5: {  	s29 =	simm.s32 $0x1;
	s30 =	simm.s32 $0x40;
	[smem:$0x7FF] =	sst s3  }
0x6: {  	s8 =	smul.u32 $0x13800, s4;
	s5 =	sadd.s32 $0x696400, s0;
	s9 =	sand.u32 $0x1, s6  }
0x7: {  	s6 =	sadd.s32 $0xC8C00, s0;
	s11 =	sadd.s32 $0x2C800, s0;
	s13 =	smul.u32 $0x4E000, s4  }
0x8: {  	s14 =	sshll.u32 s4, $0x6;
	s15 =	sshll.u32 s4, $0x7;
	s19 =	sshll.u32 s4, $0xD  }
0x9: {  	s20 =	sor.u32 $0x10, s4;
	p0 =	sne.s32 s4, $0x0;
	_ =	strace $0x8000004A  }
0xa: {  	s23 =	ssub.s32 $0x2, s9;
	s16 =	sand.u32 $0x700, s15;
	s21 =	sshll.u32 s20, $0x7  }
0xb: {  	s7 =	sshrl.u32 s8, $0x3;
	s12 =	sshrl.u32 s23, $0x1;
	s13 =	sshrl.u32 s13, $0x2  }
0xc: {  	s10 =	sadd.s32 s7, s0;
	s12 =	ssub.s32 s23, s12;
	s24 =	sadd.s32 s13, s2  }
0xd: {  	s7 =	sand.u32 $0x40, s14;
	s0 =	sadd.s32 $0x2C600, s0;
	[dreg:$0x4] =	wrdreg s24  }
0xe: {  	s25 =	sadd.s32 $0x5600, s10;
	s26 =	sor.u32 s7, s16;
	s10 =	sor.u32 $0x1C05, s14  }
0xf: {  	s16 =	sadd.s32 $0x138000, s2;
	[dreg:$0x7] =	wrdreg s0;
	s14 =	smul.u32 $0x2710000, s9  }
0x10: {  	s18 =	sor.u32 s15, s7;
	s24 =	sor.u32 s7, s21;
	[dreg:$0x5] =	wrdreg s25  }
0x11: {  	s15 =	sshll.u32 s20, $0xD;
	s20 =	sor.u32 $0x20, s4;
	[dreg:$0x6] =	wrdreg s16  }
0x12: {  	s13 =	sshrl.u32 s26, $0x3;
	s0 =	sshrl.u32 s18, $0x3;
	s25 =	smul.u32 $0x138800, s9  }
0x13: {  	s17 =	sadd.s32 s1, s13;
	s13 =	sadd.s32 s19, s14;
	s0 =	sor.u32 $0x10, s0  }
0x14: {  	s15 =	sadd.s32 s14, s15;
	s19 =	sshll.u32 s9, $0x6;
	s9 =	simm.s32 $0x1BA80  }
0x15: {  	[dreg:$0x8] =	wrdreg s17;
	s13 =	sshrl.u32 s13, $0x3;
	s17 =	sand.u32 $0xF00, s21  }
0x16: {  	s0 =	sadd.s32 s1, s0;
	s3 =	sshrl.u32 s15, $0x3;
	s15 =	sadd.s32 s8, s25  }
0x17: {  	s21 =	smax.u32 s12, $0x1;
	s8 =	simm.s32 $0x3;
	s12 =	simm.s32 $0x1DA80  }
0x18: {  	[dreg:$0x9] =	wrdreg s0;
	s22 =	sadd.s32 s5, s13;
	s23 =	sor.u32 s7, s17  }
0x19: {  	s13 =	sshrl.u32 s24, $0x3;
	s17 =	sshrl.u32 s25, $0x3;
	[dreg:$0x10] =	wrdreg s21  }
0x1a: {  	s24 =	sor.u32 $0x30, s4;
	s25 =	simm.s32 $0x5;
	[dreg:$0xa] =	wrdreg s22  }
0x1b: {  	s0 =	sshrl.u32 s23, $0x3;
	s26 =	sor.u32 $0x10, s13;
	s13 =	sadd.s32 s5, s3  }
0x1c: {  	s22 =	sor.u32 $0x17AB0, s19;
	s23 =	sor.u32 $0x19AB0, s19;
	s0 =	sadd.s32 s1, s0  }
.Ltmp0:
0x1d: {  	v0 =	vmov s22;
	v1 =	vmov s23;
	[dreg:$0xb] =	wrdreg s0;
	s0 =	sadd.s32 s1, s26;
	(pc) =	sbr.rel .LBB2_1-.Ltmp0, $4  }
0x1e: {  	s18 =	sadd.s32 s11, s17;
	[dreg:$0xc] =	wrdreg s0;
	s0 =	sshrl.u32 s15, $0x3  }
0x1f: {  	[dreg:$0xd] =	wrdreg s13;
	s13 =	simm.s32 $0x0;
	s0 =	sadd.s32 s11, s0  }
0x20: {  	s26 =	simm.s32 $0x13880;
	[dreg:$0xe] =	wrdreg s0;
	s0 =	sadd.s32 $0x27000, s18  }
0x21: {  	s11 =	simm.s32 $0x4;
	[dreg:$0xf] =	wrdreg s0;
	s0 =	simm.s32 $0x17A80  }
.LBB2_11:
0x22: {  	[bflag:$0x0] =	sbarrier.arrive $0xFFFF  }
0x23: {  	s3 =	rddreg [dreg:$0xe]  }
0x24: {  	[hbm:s3], [sflag:s10] =	dma.local [spmem:s15], $0x2700  }
0x25: {  	_ =	swait.ge [sflag:s25], $0x2700  }
0x26: {  	[sflag:s25] =	ssyncset.done $0x0  }
0x27: {  	s3 =	rddreg [dreg:$0xf];
	[sflag:s25] =	ssyncadd.s32 $0xFFFFD900  }
0x28: {  	[hbm:s3], [sflag:s10] =	dma.local @!p0 [spmem:s16], $0x100  }
0x29: {  	s3 =	simm.s32 @!p0 $0x5  }
0x2a: {  	_ =	swait.ge @!p0 [sflag:s3], $0x100  }
0x2b: {  	s13 =	sadd.s32 $0x1, s13;
	s23 =	rddreg [dreg:$0x10]  }
0x2c: {  	p1 =	sne.s32 s13, s23  }
.Ltmp1:
0x2d: {  	_ = 	snop;
	(pc) =	sbr.rel @!p1 .LBB2_12-.Ltmp1, $3  }
0x2e: {  	_ =	sdelay $0x1  }
0x2f: {  	[sflag:s3] =	ssyncset.done @!p0 $0x0  }
0x30: {  	[sflag:s3] =	ssyncadd.s32 @!p0 $0xFFFFFF00  }
.LBB2_1:
0x31: {  	s3 =	rddreg [dreg:$0x4]  }
0x32: {  	s19 =	rddreg [dreg:$0x5];
	s15 =	sshrl.u32 s3, $0x3  }
0x33: {  	[spmem:s15], [sflag:s10] =	dma.local [hbm:s19], $0x2700  }
0x34: {  	_ =	swait.ge [sflag:s25], $0x2700  }
0x35: {  	s17 =	simm.s32 @!p0 $0x5;
	[sflag:s25] =	ssyncset.done $0x0;
	s3 =	rddreg [dreg:$0x6]  }
0x36: {  	[sflag:s25] =	ssyncadd.s32 $0xFFFFD900;
	s16 =	sshrl.u32 @!p0 s3, $0x3;
	s3 =	rddreg [dreg:$0x7]  }
0x37: {  	[spmem:s16], [sflag:s10] =	dma.local @!p0 [hbm:s3], $0x100  }
0x38: {  	_ =	swait.ge @!p0 [sflag:s17], $0x100  }
0x39: {  	[sflag:s17] =	ssyncset.done @!p0 $0x0  }
0x3a: {  	[sflag:s17] =	ssyncadd.s32 @!p0 $0xFFFFFF00  }
0x3b: {  	[bflag:$0x0] =	sbarrier.arrive $0xFFFF  }
0x3c: {  	s3 =	simm.s32 $0x0;
	s21 =	rddreg [dreg:$0x8]  }
0x3d: {  	[tilespmem:s26], [sflag:$0x1] =	stream.linear.gather [hbm4b:s21+s3], $0x40, $0x38;
	[tilespmem:$0x1FA80] =	vst v63  }
0x3e: {  	s22 =	rddreg [dreg:$0x9]  }
0x3f: {  	[tilespmem:s28], [sflag:$0x1] =	stream.linear.gather [hbm4b:s22+s3], $0x40, $0x38;
	[tilespmem:$0x1FA80] =	vst v63  }
0x40: {  	s18 =	simm.s32 $0x13A80;
	s23 =	rddreg [dreg:$0xa]  }
0x41: {  	[tilespmem:s18], [sflag:$0x1] =	stream.linear.gather [hbm4b:s23+s3], $0x2000, $0x38;
	[tilespmem:$0x1FA80] =	vst v63  }
0x42: {  	s19 =	simm.s32 $0x13900;
	s18 =	rddreg [dreg:$0xb]  }
0x43: {  	[tilespmem:s19], [sflag:$0x2] =	stream.linear.gather [hbm4b:s18+s3], $0x40, $0x38;
	[tilespmem:$0x1FA80] =	vst v63  }
.Ltmp2:
0x44: {  	_ = 	snop;
	(pc) =	sbr.rel .LBB2_2-.Ltmp2, $4  }
0x45: {  	s21 =	rddreg [dreg:$0xc]  }
0x46: {  	[tilespmem:s31], [sflag:$0x2] =	stream.linear.gather [hbm4b:s21+s3], $0x40, $0x38;
	[tilespmem:$0x1FA80] =	vst v63  }
0x47: {  	s17 =	simm.s32 $0x0;
	s22 =	rddreg [dreg:$0xd];
	s23 =	simm.s32 $0x15A80  }
0x48: {  	[tilespmem:s23], [sflag:$0x2] =	stream.linear.gather [hbm4b:s22+s3], $0x2000, $0x38;
	[tilespmem:$0x1FA80] =	vst v63  }
.LBB2_10:
0x49: {  	s3 =	sadd.s32 s24, s18  }
0x4a: {  	p1 =	sgt.u32 s3, $0x1387  }
0x4b: {  	s18 =	sshll.u32 @!p1 s3, $0x7  }
0x4c: {  	s21 =	simm.s32 @!p1 $0x0;
	s19 =	sand.u32 @!p1 $0xFFF00, s18  }
0x4d: {  	s22 =	simm.s32 @!p1 $0x13900;
	s18 =	sor.u32 @!p1 s7, s18;
	s19 =	sor.u32 @!p1 s7, s19  }
0x4e: {  	s3 =	sshll.u32 @!p1 s3, $0xD;
	s18 =	sshrl.u32 @!p1 s18, $0x3;
	s19 =	sshrl.u32 @!p1 s19, $0x3  }
0x4f: {  	s3 =	sadd.s32 @!p1 s14, s3;
	s18 =	sor.u32 @!p1 $0x10, s18;
	s19 =	sadd.s32 @!p1 s1, s19  }
0x50: {  	[tilespmem:s22], [sflag:$0x2] =	stream.linear.gather @!p1 [hbm4b:s19+s21], $0x40, $0x38;
	[tilespmem:$0x1FA80] =	vst v63  }
0x51: {  	s3 =	sshrl.u32 @!p1 s3, $0x3;
	s18 =	sadd.s32 @!p1 s1, s18;
	s19 =	simm.s32 @!p1 $0x13A00  }
0x52: {  	[tilespmem:s19], [sflag:$0x2] =	stream.linear.gather @!p1 [hbm4b:s18+s21], $0x40, $0x38;
	[tilespmem:$0x1FA80] =	vst v63  }
0x53: {  	s17 =	sadd.s32 $0x1, s17;
	s3 =	sadd.s32 @!p1 s5, s3;
	s18 =	simm.s32 @!p1 $0x15A80  }
0x54: {  	[tilespmem:s18], [sflag:$0x2] =	stream.linear.gather @!p1 [hbm4b:s3+s21], $0x2000, $0x38;
	[tilespmem:$0x1FA80] =	vst v63  }
0x55: {  	p1 =	sne.s32 s17, $0x9D  }
.Ltmp3:
0x56: {  	_ = 	snop;
	(pc) =	sbr.rel @!p1 .LBB2_11-.Ltmp3, $1  }
0x57: {  	_ =	sdelay $0x3  }
.LBB2_2:
0x58: {  	s18 =	sshll.u32 s17, $0x5  }
0x59: {  	s21 =	sor.u32 s4, s18  }
0x5a: {  	p2 =	sgt.u32 s21, $0x1387  }
.Ltmp4:
0x5b: {  	_ = 	snop;
	(pc) =	sbr.rel @p2 .LBB2_6-.Ltmp4, $2  }
0x5c: {  	_ =	sdelay $0x2  }
0x5d: {  	p1 =	por $0x0, $0x0  }
0x5e: {  	_ =	swait.ge [sflag:s29], $0x40  }
0x5f: {  	[sflag:s29] =	ssyncset.done $0x0  }
0x60: {  	[sflag:s29] =	ssyncadd.s32 $0xFFFFFFC0  }
0x61: {  	_ =	swait.ge [sflag:s29], $0x40  }
0x62: {  	[sflag:s29] =	ssyncset.done $0x0  }
0x63: {  	[sflag:s29] =	ssyncadd.s32 $0xFFFFFFC0  }
0x64: {  	_ =	swait.ge [sflag:s29], $0x2000  }
0x65: {  	p1 =	sgt.u32 s21, $0x1377;
	[sflag:s29] =	ssyncset.done $0x0  }
0x66: {  	s19 =	simm.s32 @!p1 $0x2;
	[sflag:s29] =	ssyncadd.s32 $0xFFFFE000  }
0x67: {  	[tilespmem:s0], [sflag:$0x3] =	stream.indirect.gather [hbm4b:s6+s30], $0x80, s26, s30, $0xb8;
	[tilespmem:$0x1FA80] =	vst v63  }
0x68: {  	_ =	swait.ge @!p1 [sflag:s19], $0x40  }
0x69: {  	[sflag:s19] =	ssyncset.done @!p1 $0x0  }
0x6a: {  	[sflag:s19] =	ssyncadd.s32 @!p1 $0xFFFFFFC0  }
0x6b: {  	_ =	swait.ge @!p1 [sflag:s19], $0x40  }
0x6c: {  	[sflag:s19] =	ssyncset.done @!p1 $0x0  }
0x6d: {  	[sflag:s19] =	ssyncadd.s32 @!p1 $0xFFFFFFC0  }
0x6e: {  	_ =	swait.ge @!p1 [sflag:s19], $0x2000  }
0x6f: {  	s22 =	simm.s32 @!p1 $0x13900;
	[sflag:s19] =	ssyncset.done @!p1 $0x0  }
0x70: {  	s23 =	simm.s32 @!p1 $0x19A80;
	[sflag:s19] =	ssyncadd.s32 @!p1 $0xFFFFE000;
	s19 =	simm.s32 @!p1 $0x40  }
0x71: {  	[tilespmem:s23], [sflag:$0x4] =	stream.indirect.gather @!p1 [hbm4b:s6+s19], $0x80, s22, s19, $0xb8;
	[tilespmem:$0x1FA80] =	vst v63  }
0x72: {  	_ =	swait.ge [sflag:s8], $0x2000  }
0x73: {  	[sflag:s8] =	ssyncset.done $0x0  }
0x74: {  	s19 =	simm.s32 $0x0;
	[sflag:s8] =	ssyncadd.s32 $0xFFFFE000  }
0x75: {  	v2 =	vld [tilespmem:s19+$0x13A80];
	_ =	sdelay $0x3  }
0x76: {  	p1 =	slt.u32 s21, $0x1378;
	s21 =	simm.s32 $0x200  }
.LBB2_4:
0x77: {  	p2 =	sne.s32 s21, $0x7E00;
	v3 =	vld.idx.msk [tilespmem:v0+s19+$0xFFFFFFD0 ss:$0x1], $0xffff;
	[tilespmem:s19+$0x1BAC0] =	vst v2;
	_ =	sdelay $0x3  }
0x78: {  	v4 =	vld [tilespmem:s19+$0x13A90];
	_ =	sdelay $0x1  }
0x79: {  	v2 =	vmul.f32 v3, v2;
	_ =	sdelay $0x1  }
0x7a: {  	[tilespmem:s19+$0x1BA80] =	vst v2  }
0x7b: {  	v2 =	vld.idx.msk [tilespmem:v0+s19+$0xFFFFFFE0 ss:$0x1], $0xffff;
	[tilespmem:s19+$0x1BAD0] =	vst v4;
	_ =	sdelay $0x5  }
0x7c: {  	v2 =	vmul.f32 v2, v4;
	_ =	sdelay $0x1  }
0x7d: {  	[tilespmem:s19+$0x1BA90] =	vst v2  }
0x7e: {  	v2 =	vld.idx.msk [tilespmem:v0+s19+$0xFFFFFFF0 ss:$0x1], $0xffff  }
0x7f: {  	v3 =	vld [tilespmem:s19+$0x13AA0];
	_ =	sdelay $0x2  }
0x80: {  	v4 =	vld [tilespmem:s19+$0x13AB0];
	_ =	sdelay $0x1  }
0x81: {  	v2 =	vmul.f32 v2, v3  }
0x82: {  	[tilespmem:s19+$0x1BAE0] =	vst v3  }
0x83: {  	[tilespmem:s19+$0x1BAA0] =	vst v2  }
0x84: {  	v3 =	vld.idx.msk [tilespmem:v0+s19+$0x0 ss:$0x1], $0xffff;
	[tilespmem:s19+$0x1BAF0] =	vst v4;
	_ =	sdelay $0x2  }
0x85: {  	s22 =	sshra.s32 s21, $0x2  }
.Ltmp5:
0x86: {  	v2 =	vld [tilespmem:s22+$0x13A80];
	(pc) =	sbr.rel @p2 .LBB2_4-.Ltmp5, $3  }
0x87: {  	_ = 	snop  }
0x88: {  	v3 =	vmul.f32 v3, v4;
	_ =	sdelay $0x1  }
0x89: {  	s21 =	sadd.s32 $0x200, s21;
	[tilespmem:s19+$0x1BAB0] =	vst v3;
	s19 =	smov.u32 s22  }
0x8a: {  	_ =	sdelay $0x3  }
0x8b: {  	v3 =	vld.idx.msk [tilespmem:v0+s19+$0xFFFFFFD0 ss:$0x1], $0xffff;
	_ =	sdelay $0x4  }
0x8c: {  	[tilespmem:s19+$0x1BAC0] =	vst v2;
	v2 =	vmul.f32 v3, v2;
	_ =	sdelay $0x1  }
0x8d: {  	v3 =	vld [tilespmem:s19+$0x13A90];
	[tilespmem:s19+$0x1BA80] =	vst v2  }
0x8e: {  	v2 =	vld.idx.msk [tilespmem:v0+s19+$0xFFFFFFE0 ss:$0x1], $0xffff;
	_ =	sdelay $0x4  }
0x8f: {  	v2 =	vmul.f32 v2, v3  }
0x90: {  	[tilespmem:s19+$0x1BAD0] =	vst v3  }
0x91: {  	v3 =	vld [tilespmem:s19+$0x13AA0];
	[tilespmem:s19+$0x1BA90] =	vst v2  }
0x92: {  	v2 =	vld.idx.msk [tilespmem:v0+s19+$0xFFFFFFF0 ss:$0x1], $0xffff;
	_ =	sdelay $0x4  }
0x93: {  	v2 =	vmul.f32 v2, v3  }
0x94: {  	[tilespmem:s19+$0x1BAE0] =	vst v3  }
0x95: {  	v4 =	vld [tilespmem:s19+$0x13AB0];
	[tilespmem:s19+$0x1BAA0] =	vst v2  }
0x96: {  	v2 =	vld.idx.msk [tilespmem:v0+s19+$0x0 ss:$0x1], $0xffff;
	_ =	sdelay $0x4  }
0x97: {  	v2 =	vmul.f32 v2, v4  }
0x98: {  	[tilespmem:s19+$0x1BAF0] =	vst v4  }
0x99: {  	[tilespmem:s19+$0x1BAB0] =	vst v2  }
0x9a: {  	[spmem:s2] =	stream.indirect.scatter.add.f32 [tilespmem:s9], [sflag:$0x5], $0x80, s28, s30, $0xb8;
	[tilespmem:$0x1FA80] =	vst v63  }
0x9b: {  	_ =	swait.ge [sflag:s25], $0x2000  }
0x9c: {  	[sflag:s25] =	ssyncset.done $0x0  }
0x9d: {  	[sflag:s25] =	ssyncadd.s32 $0xFFFFE000  }
.LBB2_6:
0x9e: {  	s19 =	sadd.s32 s20, s18  }
0x9f: {  	p2 =	sgt.u32 s19, $0x1387  }
0xa0: {  	s21 =	sshll.u32 @!p2 s19, $0x7  }
0xa1: {  	s22 =	sand.u32 @!p2 $0xFF700, s21  }
0xa2: {  	s22 =	sor.u32 @!p2 s7, s22  }
0xa3: {  	s22 =	sshrl.u32 @!p2 s22, $0x3  }
0xa4: {  	s23 =	simm.s32 @!p2 $0x0;
	s3 =	simm.s32 @!p2 $0x13880;
	s22 =	sadd.s32 @!p2 s1, s22  }
0xa5: {  	[tilespmem:s3], [sflag:$0x1] =	stream.linear.gather @!p2 [hbm4b:s22+s23], $0x40, $0x38;
	[tilespmem:$0x1FA80] =	vst v63  }
0xa6: {  	s3 =	sor.u32 @!p2 s7, s21  }
0xa7: {  	s3 =	sshrl.u32 @!p2 s3, $0x3  }
0xa8: {  	s3 =	sor.u32 @!p2 $0x10, s3  }
0xa9: {  	s21 =	simm.s32 @!p2 $0x13980;
	s3 =	sadd.s32 @!p2 s1, s3  }
0xaa: {  	[tilespmem:s21], [sflag:$0x1] =	stream.linear.gather @!p2 [hbm4b:s3+s23], $0x40, $0x38;
	[tilespmem:$0x1FA80] =	vst v63  }
.Ltmp6:
0xab: {  	s3 =	sshll.u32 @!p2 s19, $0xD;
	(pc) =	sbr.rel @!p1 .LBB2_10-.Ltmp6, $4  }
0xac: {  	s3 =	sadd.s32 @!p2 s14, s3  }
0xad: {  	s3 =	sshrl.u32 @!p2 s3, $0x3  }
0xae: {  	s19 =	simm.s32 @!p2 $0x13A80;
	s3 =	sadd.s32 @!p2 s5, s3  }
0xaf: {  	[tilespmem:s19], [sflag:$0x1] =	stream.linear.gather @!p2 [hbm4b:s3+s23], $0x2000, $0x38;
	[tilespmem:$0x1FA80] =	vst v63  }
0xb0: {  	_ =	swait.ge [sflag:s11], $0x2000  }
0xb1: {  	[sflag:s11] =	ssyncset.done $0x0  }
0xb2: {  	s19 =	simm.s32 $0x0;
	[sflag:s11] =	ssyncadd.s32 $0xFFFFE000  }
0xb3: {  	v2 =	vld [tilespmem:s19+$0x15A80];
	_ =	sdelay $0x3  }
0xb4: {  	s21 =	simm.s32 $0x200  }
.LBB2_8:
0xb5: {  	p1 =	sne.s32 s21, $0x7E00;
	v3 =	vld.idx.msk [tilespmem:v1+s19+$0xFFFFFFD0 ss:$0x1], $0xffff;
	[tilespmem:s19+$0x1DAC0] =	vst v2;
	_ =	sdelay $0x3  }
0xb6: {  	v4 =	vld [tilespmem:s19+$0x15A90];
	_ =	sdelay $0x1  }
0xb7: {  	v2 =	vmul.f32 v3, v2;
	_ =	sdelay $0x1  }
0xb8: {  	[tilespmem:s19+$0x1DA80] =	vst v2  }
0xb9: {  	v2 =	vld.idx.msk [tilespmem:v1+s19+$0xFFFFFFE0 ss:$0x1], $0xffff;
	[tilespmem:s19+$0x1DAD0] =	vst v4;
	_ =	sdelay $0x5  }
0xba: {  	v2 =	vmul.f32 v2, v4;
	_ =	sdelay $0x1  }
0xbb: {  	[tilespmem:s19+$0x1DA90] =	vst v2  }
0xbc: {  	v2 =	vld.idx.msk [tilespmem:v1+s19+$0xFFFFFFF0 ss:$0x1], $0xffff  }
0xbd: {  	v3 =	vld [tilespmem:s19+$0x15AA0];
	_ =	sdelay $0x2  }
0xbe: {  	v4 =	vld [tilespmem:s19+$0x15AB0];
	_ =	sdelay $0x1  }
0xbf: {  	v2 =	vmul.f32 v2, v3  }
0xc0: {  	[tilespmem:s19+$0x1DAE0] =	vst v3  }
0xc1: {  	[tilespmem:s19+$0x1DAA0] =	vst v2  }
0xc2: {  	v3 =	vld.idx.msk [tilespmem:v1+s19+$0x0 ss:$0x1], $0xffff;
	[tilespmem:s19+$0x1DAF0] =	vst v4;
	_ =	sdelay $0x2  }
0xc3: {  	s3 =	sshra.s32 s21, $0x2  }
.Ltmp7:
0xc4: {  	v2 =	vld [tilespmem:s3+$0x15A80];
	(pc) =	sbr.rel @p1 .LBB2_8-.Ltmp7, $3  }
0xc5: {  	_ = 	snop  }
0xc6: {  	v3 =	vmul.f32 v3, v4;
	_ =	sdelay $0x1  }
0xc7: {  	s21 =	sadd.s32 $0x200, s21;
	[tilespmem:s19+$0x1DAB0] =	vst v3;
	s19 =	smov.u32 s3  }
0xc8: {  	_ =	sdelay $0x3  }
0xc9: {  	v3 =	vld.idx.msk [tilespmem:v1+s19+$0xFFFFFFD0 ss:$0x1], $0xffff;
	_ =	sdelay $0x4  }
0xca: {  	[tilespmem:s19+$0x1DAC0] =	vst v2;
	v2 =	vmul.f32 v3, v2;
	_ =	sdelay $0x1  }
0xcb: {  	v3 =	vld [tilespmem:s19+$0x15A90];
	[tilespmem:s19+$0x1DA80] =	vst v2  }
0xcc: {  	v2 =	vld.idx.msk [tilespmem:v1+s19+$0xFFFFFFE0 ss:$0x1], $0xffff;
	_ =	sdelay $0x4  }
0xcd: {  	v2 =	vmul.f32 v2, v3  }
0xce: {  	[tilespmem:s19+$0x1DAD0] =	vst v3  }
0xcf: {  	v3 =	vld [tilespmem:s19+$0x15AA0];
	[tilespmem:s19+$0x1DA90] =	vst v2  }
0xd0: {  	v2 =	vld.idx.msk [tilespmem:v1+s19+$0xFFFFFFF0 ss:$0x1], $0xffff;
	_ =	sdelay $0x4  }
0xd1: {  	v2 =	vmul.f32 v2, v3  }
0xd2: {  	[tilespmem:s19+$0x1DAE0] =	vst v3  }
0xd3: {  	v4 =	vld [tilespmem:s19+$0x15AB0];
	[tilespmem:s19+$0x1DAA0] =	vst v2  }
0xd4: {  	v2 =	vld.idx.msk [tilespmem:v1+s19+$0x0 ss:$0x1], $0xffff;
	_ =	sdelay $0x4  }
0xd5: {  	v2 =	vmul.f32 v2, v4  }
0xd6: {  	[tilespmem:s19+$0x1DAF0] =	vst v4  }
.Ltmp8:
0xd7: {  	[tilespmem:s19+$0x1DAB0] =	vst v2;
	(pc) =	sbr.rel .LBB2_10-.Ltmp8, $4  }
0xd8: {  	[spmem:s2] =	stream.indirect.scatter.add.f32 [tilespmem:s12], [sflag:$0x5], $0x80, s31, s30, $0xb8;
	[tilespmem:$0x1FA80] =	vst v63  }
0xd9: {  	_ =	swait.ge [sflag:s25], $0x2000  }
0xda: {  	[sflag:s25] =	ssyncset.done $0x0  }
0xdb: {  	[sflag:s25] =	ssyncadd.s32 $0xFFFFE000  }
.LBB2_12:
0xdc: {  	_ =	sfence.sel $0x180000  }
0xdd: {  	[bflag:$0x0] =	sbarrier.arrive $0xFFFF  }
0xde: {  	_ =	strace $0x9000004A  }
0xdf: {  	[bflag:$0x2] =	sbarrier.arrive $0xFFFF  }
0xe0: {  	s0 =	rddreg [dreg:$0x3]  }
0xe1: {  	s0 =	sadd.s32 @!p0 $0x100000, s0  }
0xe2: {  	[sflag:s0] =	ssyncadd.tile.s32 @!p0 $0x1;
	_ =	shalt  }
.Lfunc_end2:
_tile_overlayer_lowered:
.L_overlay_start_2:
0xe3: {  	(tag) =	ssettag $0x2  }
0xe4: {  	s0 =	rddreg [dreg:$0x0];
	s2 =	stileid.u32  }
0xe5: {  	s1 =	rddreg [dreg:$0x1];
	p0 =	sne.s32 s2, $0x0  }
0xe6: {  	s3 =	rddreg [dreg:$0x2];
	[bflag:$0x3] =	sbarrier.arrive $0xFFFF;
	s2 =	simm.s32 @!p0 $0x1C05  }
0xe7: {  	[timem:s3], [sflag:s2] =	dma.local @!p0 [hbm:s0], s1  }
0xe8: {  	s0 =	simm.s32 @!p0 $0x5  }
0xe9: {  	_ =	swait.ge @!p0 [sflag:s0], s1  }
0xea: {  	s1 =	ssub.s32 @!p0 $0x0, s1;
	[sflag:s0] =	ssyncset.done @!p0 $0x0  }
0xeb: {  	[sflag:s0] =	ssyncadd.s32 @!p0 s1  }
0xec: {  	[bflag:$0x3] =	sbarrier.arrive $0xFFFF  }
0xed: {  	_ =	shalt  }

// kernel: kernel.8.cloned.1.call-start
scs
__scs_entry_jumppad:
0x0: {  	(pc) =	sbr.rel $0x88, $3  }
0x1: {  	(tag) =	ssettag $0x0;
	lr =	simm.s32 $0x1  }
0x2: {  	[smem:$0x3F8D] =	sst lr;
	_ =	strace $0xD0000000  }
0x3: {  	_ = 	snop  }
0x4: {  	_ = 	snop  }
0x5: {  	_ = 	snop  }
0x6: {  	_ = 	snop  }
0x7: {  	_ = 	snop  }
__scs_overlays_trampoline_lowered:
0x8: {  	[smem:$0x3F9C] =	sst s0  }
0x9: {  	[smem:$0x3F9D] =	sst s1  }
0xa: {  	[smem:$0x3F9E] =	sst s2  }
0xb: {  	[smem:$0x3F9F] =	sst s3  }
0xc: {  	[smem:$0x3FA0] =	sst s4  }
0xd: {  	[smem:$0x3FA1] =	sst s5  }
0xe: {  	[smem:$0x3FA2] =	sst s6  }
0xf: {  	[smem:$0x3FA3] =	sst s7  }
0x10: {  	[smem:$0x3FA4] =	sst s8  }
0x11: {  	[smem:$0x3FA5] =	sst s9;
	s0 =	simm.s32 @!p0 $0x0  }
0x12: {  	s1 =	sld [smem:$0x3F8B];
	s0 =	simm.s32 @p0 $0x1  }
0x13: {  	[smem:$0x3FA6] =	sst s0;
	s0 =	simm.s32 @!p1 $0x0  }
0x14: {  	s2 =	sld [smem:$0x3F8A];
	s0 =	simm.s32 @p1 $0x1  }
0x15: {  	[smem:$0x3FA7] =	sst s0;
	s0 =	simm.s32 @!p2 $0x0  }
0x16: {  	s3 =	sld [smem:$0x3FDB];
	s0 =	simm.s32 @p2 $0x1  }
0x17: {  	s4 =	simm.s32 $0x1BF5;
	[smem:$0x3FA9] =	sst s0  }
0x18: {  	s0 =	sld [smem:$0x3F8C];
	_ =	swait.ge [sflag:s4], $0x0  }
0x19: {  	s7 =	sld [smem:$0x3F8D]  }
0x1a: {  	s8 =	sadd.s32 $0xFFFFE003, lr  }
0x1b: {  	s9 =	sadd.s32 $0xFFFFFEF7, lr;
	s5 =	simm.s32 $0xFFFFFFFF;
	p2 =	slt.u32 s8, $0xFFFFF086  }
0x1c: {  	p1 =	slt.u32 s9, $0xF7A;
	s5 =	simm.s32 @!p2 $0x0  }
0x1d: {  	s5 =	simm.s32 @p1 $0x1;
	p0 =	seq.s32 s7, s2  }
0x1e: {  	s7 =	smul.u32 @!p0 $0xF7A, s2;
	p2 =	seq.s32 @!p0 s5, $0x0  }
0x1f: {  	s9 =	smul.u32 $0xF7A, s1;
	s8 =	simm.s32 @!p0 $0x1BF5;
	p2 =	por !p2, p0  }
0x20: {  	[sflag:s8] =	ssyncset.s32 @!p0 $0xFFFFF086;
	s6 =	sadd.s32 @!p0 s3, s7;
	s7 =	simm.s32 @!p0 $0x108  }
0x21: {  	s3 =	sadd.s32 s3, s9;
	s6 =	sadd.s32 @!p0 $0x88, s6;
	s7 =	simm.s32 @p2 $0x1082  }
0x22: {  	[simem:s7], [sflag:s8] =	dma.local @!p0 [hbm:s6], $0xF7A  }
0x23: {  	s9 =	sor.u32 $0xD0000000, s2;
	s6 =	simm.s32 $0x108;
	_ =	swait.ge @!p0 [sflag:s8], $0x0  }
0x24: {  	s3 =	sadd.s32 $0x88, s3;
	s6 =	simm.s32 @!p1 $0x1082;
	[sflag:s4] =	ssyncset.s32 $0xFFFFF086  }
0x25: {  	[simem:s6], [sflag:s4] =	dma.local [hbm:s3], $0xF7A  }
0x26: {  	[smem:$0x3F8D] =	sst s1;
	(tag) =	ssettag s2;
	_ =	strace s9  }
0x27: {  	s1 =	sld [smem:$0x3F9D]  }
0x28: {  	s2 =	sld [smem:$0x3F9E]  }
0x29: {  	s4 =	sld [smem:$0x3FA0]  }
0x2a: {  	p0 =	seq.s32 s5, $0x0;
	s5 =	sld [smem:$0x3FA1]  }
0x2b: {  	s6 =	sld [smem:$0x3FA2]  }
0x2c: {  	s7 =	sld [smem:$0x3FA3]  }
0x2d: {  	s3 =	simm.s32 $0x108;
	s8 =	sld [smem:$0x3FA4]  }
0x2e: {  	s3 =	simm.s32 @!p0 $0x1082;
	s9 =	sld [smem:$0x3FA5]  }
0x2f: {  	lr =	sadd.s32 s0, s3;
	s0 =	sld [smem:$0x3F9C]  }
0x30: {  	s3 =	sld [smem:$0x3F9F]  }
0x31: {  	[smem:$0x3FA8] =	sst s10  }
0x32: {  	s10 =	sld [smem:$0x3FA6];
	_ =	sdelay $0x3  }
0x33: {  	p0 =	seq.s32 s10, $0x1;
	s10 =	sld [smem:$0x3FA8];
	_ =	sdelay $0x3  }
0x34: {  	[smem:$0x3FA8] =	sst s10  }
0x35: {  	s10 =	sld [smem:$0x3FA7];
	_ =	sdelay $0x3  }
0x36: {  	p1 =	seq.s32 s10, $0x1;
	s10 =	sld [smem:$0x3FA8];
	_ =	sdelay $0x3  }
0x37: {  	[smem:$0x3FA8] =	sst s10  }
0x38: {  	s10 =	sld [smem:$0x3FA9]  }
0x39: {  	_ = 	snop;
	(pc) =	sbr.ind lr, $3  }
0x3a: {  	_ = 	snop  }
0x3b: {  	_ = 	snop  }
0x3c: {  	p2 =	seq.s32 s10, $0x1;
	s10 =	sld [smem:$0x3FA8]  }
0x3d: {  	_ =	shalt  }
0x3e: {  	_ =	shalt  }
0x3f: {  	_ =	shalt  }
0x40: {  	_ =	shalt  }
0x41: {  	_ =	shalt  }
0x42: {  	_ =	shalt  }
0x43: {  	_ =	shalt  }
0x44: {  	_ =	shalt  }
0x45: {  	_ =	shalt  }
0x46: {  	_ =	shalt  }
0x47: {  	_ =	shalt  }
0x48: {  	_ =	shalt  }
0x49: {  	_ =	shalt  }
0x4a: {  	_ =	shalt  }
0x4b: {  	_ =	shalt  }
0x4c: {  	_ =	shalt  }
0x4d: {  	_ =	shalt  }
0x4e: {  	_ =	shalt  }
0x4f: {  	_ =	shalt  }
0x50: {  	_ =	shalt  }
0x51: {  	_ =	shalt  }
0x52: {  	_ =	shalt  }
0x53: {  	_ =	shalt  }
0x54: {  	_ =	shalt  }
0x55: {  	_ =	shalt  }
0x56: {  	_ =	shalt  }
0x57: {  	_ =	shalt  }
0x58: {  	_ =	shalt  }
0x59: {  	_ =	shalt  }
0x5a: {  	_ =	shalt  }
0x5b: {  	_ =	shalt  }
0x5c: {  	_ =	shalt  }
0x5d: {  	_ =	shalt  }
0x5e: {  	_ =	shalt  }
0x5f: {  	_ =	shalt  }
0x60: {  	_ =	shalt  }
0x61: {  	_ =	shalt  }
0x62: {  	_ =	shalt  }
0x63: {  	_ =	shalt  }
0x64: {  	_ =	shalt  }
0x65: {  	_ =	shalt  }
0x66: {  	_ =	shalt  }
0x67: {  	_ =	shalt  }
0x68: {  	_ =	shalt  }
0x69: {  	_ =	shalt  }
0x6a: {  	_ =	shalt  }
0x6b: {  	_ =	shalt  }
0x6c: {  	_ =	shalt  }
0x6d: {  	_ =	shalt  }
0x6e: {  	_ =	shalt  }
0x6f: {  	_ =	shalt  }
0x70: {  	_ =	shalt  }
0x71: {  	_ =	shalt  }
0x72: {  	_ =	shalt  }
0x73: {  	_ =	shalt  }
0x74: {  	_ =	shalt  }
0x75: {  	_ =	shalt  }
0x76: {  	_ =	shalt  }
0x77: {  	_ =	shalt  }
0x78: {  	_ =	shalt  }
0x79: {  	_ =	shalt  }
0x7a: {  	_ =	shalt  }
0x7b: {  	_ =	shalt  }
0x7c: {  	_ =	shalt  }
0x7d: {  	_ =	shalt  }
0x7e: {  	_ =	shalt  }
0x7f: {  	_ =	shalt  }
0x80: {  	_ =	shalt  }
0x81: {  	_ =	shalt  }
0x82: {  	_ =	shalt  }
0x83: {  	_ =	shalt  }
0x84: {  	_ =	shalt  }
0x85: {  	_ =	shalt  }
0x86: {  	_ =	shalt  }
0x87: {  	_ =	shalt  }
.Lfunc_end0:
.L_simem_size_0:
called_computation_lowered:
.L_overlay_start_0:
0x88: {  	s2 =	sld [smem:$0x3FD9]  }
0x89: {  	s3 =	sld [smem:$0x3FFE];
	_ =	sdelay $0x1  }
0x8a: {  	s1 =	srdreg.scid  }
0x8b: {  	s0 =	sand.u32 $0x1, s1  }
0x8c: {  	s17 =	sshll.u32 s0, $0xA;
	s2 =	sadd.s32 s3, s2  }
0x8d: {  	s2 =	sadd.s32 s2, s17  }
0x8e: {  	[smem:$0x3FB4] =	sst s2  }
0x8f: {  	_ = 	snop  }
0x90: {  	s2 =	sld [smem:$0x3FC7];
	(tm) =	ssettm $0x1  }
0x91: {  	s18 =	sld [smem:$0x3FFB];
	_ =	sdelay $0x3  }
0x92: {  	_ =	strace s18  }
0x93: {  	s3 =	sld [smem:$0x3FFC];
	_ =	sdelay $0x3  }
0x94: {  	_ =	strace s3  }
0x95: {  	s3 =	sld [smem:$0x3FFD];
	_ =	sdelay $0x3  }
0x96: {  	_ =	strace s3  }
0x97: {  	_ =	strace $0x8FFFFFFF  }
0x98: {  	s19 =	sld [smem:$0x3FDB];
	_ =	sdelay $0x1  }
0x99: {  	s4 =	simm.s32 $_scs_section_size  }
0x9a: {  	s5 =	simm.s32 $_size__tile_overlayer_lowered;
	s6 =	simm.s32 $_tile_overlayer_lowered  }
0x9b: {  	s22 =	simm.s32 $0x1BFF;
	s21 =	sshll.u32 s6, $0x1;
	s3 =	sadd.s32 s4, s19  }
0x9c: {  	s7 =	simm.s32 $0x0;
	s20 =	sshll.u32 s5, $0x1;
	s5 =	sadd.s32 s21, s3  }
0x9d: {  	[timem:s7], [sflag:s22] =	dma.local [hbm:s5], s20  }
0x9e: {  	_ =	swait.ge [sflag:s22], s20  }
0x9f: {  	s4 =	ssub.s32 $0x0, s20;
	[sflag:s22] =	ssyncset.done $0x0  }
0xa0: {  	[sflag:s22] =	ssyncadd.s32 s4;
	_ =	sdelay $0x1  }
0xa1: {  	s23 =	simm.s32 $0x1B8B  }
0xa2: {  	_ =	swait.ge [sflag:s23], $0x1  }
0xa3: {  	[sflag:s23] =	ssyncset.done $0x0  }
0xa4: {  	s25 =	simm.s32 $0x1B8E;
	s24 =	sld [smem:$0x3FFE];
	[sflag:s23] =	ssyncadd.s32 $0xFFFFFFFF  }
0xa5: {  	s26 =	simm.s32 $execute0_lowered;
	[smem:$0x3FD2] =	sst s25  }
0xa6: {  	s5 =	sshll.u32 s26, $0x1;
	_ =	strace $0x80000046;
	[dreg:$0x1] =	wrdreg $0xFFFFFFFF  }
0xa7: {  	s28 =	simm.s32 $_size_execute0_lowered;
	s3 =	sadd.s32 s3, s5;
	[dreg:$0x0] =	wrdreg $0x0  }
0xa8: {  	s5 =	sshll.u32 s28, $0x1;
	[dreg:$0x2] =	wrdreg s3  }
0xa9: {  	[dreg:$0x3] =	wrdreg s5  }
0xaa: {  	[dreg:$0x4] =	wrdreg $0xC0  }
0xab: {  	_ =	task [dreg:s7], $0x5FFFF  }
0xac: {  	[dreg:$0x1] =	wrdreg $0xFFFFFFFF  }
0xad: {  	[dreg:$0x0] =	wrdreg $0x60  }
0xae: {  	[dreg:$0x2] =	wrdreg s24  }
0xaf: {  	[dreg:$0x3] =	wrdreg s2  }
0xb0: {  	[dreg:$0x4] =	wrdreg $0x9  }
0xb1: {  	_ =	task.clear_ibuf [dreg:s7], $0x5FFFF;
	_ =	strace $0x90000046  }
0xb2: {  	s29 =	simm.s32 $0x9;
	_ =	strace $0x80000048  }
0xb3: {  	_ =	swait.ge [sflag:s29], $0x1  }
0xb4: {  	[sflag:s29] =	ssyncadd.s32 $0xFFFFFFFF  }
0xb5: {  	_ =	strace $0x90000048  }
0xb6: {  	_ =	sfence  }
0xb7: {  	s30 =	sld [smem:$0x0];
	_ =	sdelay $0x2  }
0xb8: {  	s31 =	sshll.u32 s1, $0xD;
	s1 =	sshrl.u32 s1, $0x2  }
0xb9: {  	s3 =	sand.u32 $0x4000, s31;
	s1 =	sadd.s32 s1, s30  }
0xba: {  	s0 =	sor.u32 s3, s0;
	s1 =	sshll.u32 s1, $0x11  }
0xbb: {  	s0 =	sor.u32 s1, s0  }
0xbc: {  	s0 =	sadd.s32 $0x8F2B, s0  }
0xbd: {  	[sflag:s0] =	ssyncadd.remote.s32 $0x1  }
0xbe: {  	_ =	sfence.sel $0xFFFF  }
0xbf: {  	[dreg:$0x0] =	wrdreg $0xFFFFFFFF;
	(pc) =	sbr.abs _section_cstart, $3  }
0xc0: {  	[dreg:$0x1] =	wrdreg $0xFFFFFFFF  }
0xc1: {  	_ =	task.clear_ibuf [dreg:s7], $0x2FFFF;
	_ =	strace $0x9FFFFFFF  }
0xc2: {  	(tm) =	ssettm $0x7FFFFFFF  }
0xc3: {  	_ =	shalt  }
tec
execute0_lowered:
.L_overlay_start_1:
0x0: {  	(tag) =	ssettag $0x1  }
0x1: {  	s0 =	rddreg [dreg:$0x0]  }
0x2: {  	s1 =	rddreg [dreg:$0x1]  }
0x3: {  	s2 =	simm.s32 $0x0;
	s3 =	srdreg.scid;
	s7 =	stileid.u32  }
0x4: {  	s28 =	simm.s32 $0x11A00;
	s29 =	simm.s32 $0x5;
	s30 =	simm.s32 $0x6  }
0x5: {  	[smem:$0x7FF] =	sst s2;
	s3 =	sand.u32 $0x1, s3;
	s4 =	sadd.s32 $0xA1A00, s0  }
0x6: {  	s5 =	sadd.s32 $0x5600, s0;
	s9 =	sadd.s32 $0x10, s1;
	s6 =	sshll.u32 s3, $0x4  }
0x7: {  	_ =	strace $0x80000047;
	s3 =	ssub.s32 $0x2, s3;
	s6 =	sor.u32 s7, s6  }
0x8: {  	s7 =	sadd.s32 $0x118000, s0;
	s22 =	sshrl.u32 s3, $0x1;
	s8 =	sshll.u32 s6, $0x7  }
0x9: {  	s10 =	sshll.u32 s6, $0x5;
	s3 =	ssub.s32 s3, s22;
	s25 =	sshll.u32 s6, $0x8  }
0xa: {  	s26 =	sor.u32 $0x20, s6;
	s15 =	sor.u32 $0x40, s6;
	s16 =	sor.u32 $0x60, s6  }
0xb: {  	s0 =	sadd.s32 s8, s0;
	s23 =	sadd.s32 s1, s10;
	s24 =	sadd.s32 s10, s9  }
0xc: {  	s8 =	sadd.s32 s5, s25;
	s31 =	sshll.u32 s26, $0x5;
	s10 =	sshll.u32 s26, $0x8  }
.Ltmp0:
0xd: {  	s18 =	smax.u32 s3, $0x1;
	[dreg:$0x3] =	wrdreg s23;
	(pc) =	sbr.rel .LBB2_1-.Ltmp0, $4  }
0xe: {  	s25 =	simm.s32 $0x11200;
	s26 =	simm.s32 $0x4;
	[dreg:$0x4] =	wrdreg s24  }
0xf: {  	s3 =	simm.s32 $0x0;
	[dreg:$0x5] =	wrdreg s8;
	s11 =	sadd.s32 s1, s31  }
0x10: {  	s13 =	sadd.s32 s31, s9;
	s14 =	sadd.s32 s5, s10;
	s17 =	sadd.s32 $0x117000, s0  }
0x11: {  	v0 =	vimm.f32 $0.0e+00;
	s24 =	simm.s32 $0x3;
	s0 =	simm.s32 $0x7;
	[dreg:$0x6] =	wrdreg s11  }
.LBB2_11:
0x12: {  	_ =	swait.ge [sflag:s29], $0x800  }
0x13: {  	[sflag:s29] =	ssyncset.done $0x0  }
0x14: {  	[sflag:s29] =	ssyncadd.s32 $0xFFFFF800  }
0x15: {  	s3 =	sadd.s32 $0x1, s3;
	_ =	swait.ge [sflag:s30], $0x800  }
0x16: {  	p0 =	sne.s32 s3, s18;
	[sflag:s30] =	ssyncset.done $0x0  }
.Ltmp1:
0x17: {  	s8 =	simm.s32 $0x12200;
	[sflag:s30] =	ssyncadd.s32 $0xFFFFF800;
	(pc) =	sbr.rel @!p0 .LBB2_12-.Ltmp1, $4  }
0x18: {  	[hbm4b:s17+s2] =	stream.linear.scatter [tilespmem:s8], [sflag:$0x7], $0x100, $0x38;
	[tilespmem:$0x12300] =	vst v63  }
0x19: {  	_ =	swait.ge [sflag:s0], $0x100  }
0x1a: {  	[sflag:s0] =	ssyncset.done $0x0  }
0x1b: {  	[sflag:s0] =	ssyncadd.s32 $0xFFFFFF00  }
.LBB2_1:
0x1c: {  	[tilespmem:$0x12200] =	vst v0  }
0x1d: {  	[tilespmem:$0x12280] =	vst v0;
	s8 =	rddreg [dreg:$0x3]  }
0x1e: {  	[tilespmem:s2], [sflag:$0x1] =	stream.linear.gather [hbm4b:s8+s2], $0x80, $0x38;
	[tilespmem:$0x12300] =	vst v63  }
0x1f: {  	s12 =	rddreg [dreg:$0x4];
	s10 =	simm.s32 $0x100  }
0x20: {  	[tilespmem:s10], [sflag:$0x1] =	stream.linear.gather [hbm4b:s12+s2], $0x80, $0x38;
	[tilespmem:$0x12300] =	vst v63  }
0x21: {  	s19 =	rddreg [dreg:$0x5];
	s20 =	simm.s32 $0x200  }
0x22: {  	[tilespmem:s20], [sflag:$0x1] =	stream.linear.gather [hbm4b:s19+s2], $0x800, $0x38;
	[tilespmem:$0x12300] =	vst v63  }
0x23: {  	s21 =	rddreg [dreg:$0x6];
	s22 =	simm.s32 $0x80  }
0x24: {  	[tilespmem:s22], [sflag:$0x2] =	stream.linear.gather [hbm4b:s21+s2], $0x80, $0x38;
	[tilespmem:$0x12300] =	vst v63  }
.Ltmp2:
0x25: {  	_ = 	snop;
	(pc) =	sbr.rel .LBB2_2-.Ltmp2, $4  }
0x26: {  	s23 =	simm.s32 $0x180  }
0x27: {  	[tilespmem:s23], [sflag:$0x2] =	stream.linear.gather [hbm4b:s13+s2], $0x80, $0x38;
	[tilespmem:$0x12300] =	vst v63  }
0x28: {  	s31 =	simm.s32 $0xA00;
	s19 =	simm.s32 $0x0  }
0x29: {  	[tilespmem:s31], [sflag:$0x2] =	stream.linear.gather [hbm4b:s14+s2], $0x800, $0x38;
	[tilespmem:$0x12300] =	vst v63  }
.LBB2_10:
0x2a: {  	s8 =	sadd.s32 s16, s20  }
0x2b: {  	p0 =	sgt.u32 s8, $0x9C3  }
0x2c: {  	s10 =	sshll.u32 @!p0 s8, $0x5  }
0x2d: {  	s12 =	simm.s32 @!p0 $0x0;
	s20 =	simm.s32 @!p0 $0x80;
	s11 =	sadd.s32 @!p0 s1, s10  }
0x2e: {  	[tilespmem:s20], [sflag:$0x2] =	stream.linear.gather @!p0 [hbm4b:s11+s12], $0x80, $0x38;
	[tilespmem:$0x12300] =	vst v63  }
0x2f: {  	s8 =	sshll.u32 @!p0 s8, $0x8;
	s10 =	sadd.s32 @!p0 s10, s9;
	s11 =	simm.s32 @!p0 $0x180  }
0x30: {  	[tilespmem:s11], [sflag:$0x2] =	stream.linear.gather @!p0 [hbm4b:s10+s12], $0x80, $0x38;
	[tilespmem:$0x12300] =	vst v63  }
0x31: {  	s19 =	sadd.s32 $0x1, s19;
	s8 =	sadd.s32 @!p0 s5, s8;
	s10 =	simm.s32 @!p0 $0xA00  }
0x32: {  	[tilespmem:s10], [sflag:$0x2] =	stream.linear.gather @!p0 [hbm4b:s8+s12], $0x800, $0x38;
	[tilespmem:$0x12300] =	vst v63  }
0x33: {  	p0 =	sne.s32 s19, $0x28  }
.Ltmp3:
0x34: {  	_ = 	snop;
	(pc) =	sbr.rel @!p0 .LBB2_11-.Ltmp3, $1  }
0x35: {  	_ =	sdelay $0x3  }
.LBB2_2:
0x36: {  	s20 =	sshll.u32 s19, $0x6  }
0x37: {  	s22 =	sor.u32 s6, s20  }
0x38: {  	p1 =	sgt.u32 s22, $0x9C3  }
0x39: {  	s8 =	simm.s32 @!p1 $0x1  }
0x3a: {  	_ =	swait.ge @!p1 [sflag:s8], $0x80  }
0x3b: {  	[sflag:s8] =	ssyncset.done @!p1 $0x0  }
0x3c: {  	[sflag:s8] =	ssyncadd.s32 @!p1 $0xFFFFFF80  }
0x3d: {  	_ =	swait.ge @!p1 [sflag:s8], $0x80  }
0x3e: {  	[sflag:s8] =	ssyncset.done @!p1 $0x0  }
0x3f: {  	[sflag:s8] =	ssyncadd.s32 @!p1 $0xFFFFFF80  }
0x40: {  	_ =	swait.ge @!p1 [sflag:s8], $0x800  }
0x41: {  	s21 =	sor.u32 $0x20, s22;
	s10 =	simm.s32 @!p1 $0x0;
	[sflag:s8] =	ssyncset.done @!p1 $0x0  }
0x42: {  	s11 =	simm.s32 @!p1 $0x1200;
	[sflag:s8] =	ssyncadd.s32 @!p1 $0xFFFFF800;
	s8 =	simm.s32 @!p1 $0x80  }
0x43: {  	[tilespmem:s11], [sflag:$0x3] =	stream.indirect.gather @!p1 [hbm4b:s4+s8], $0x80, s10, s8, $0xb8;
	[tilespmem:$0x12300] =	vst v63  }
0x44: {  	p0 =	sgt.u32 s21, $0x9C3;
	s10 =	simm.s32 @!p1 $0x100;
	s11 =	simm.s32 @!p1 $0x9200  }
0x45: {  	[tilespmem:s11], [sflag:$0x3] =	stream.indirect.gather @!p1 [hbm4b:s4+s8], $0x80, s10, s8, $0xb8;
	[tilespmem:$0x12300] =	vst v63  }
0x46: {  	s8 =	simm.s32 @!p0 $0x2  }
0x47: {  	_ =	swait.ge @!p0 [sflag:s8], $0x80  }
0x48: {  	[sflag:s8] =	ssyncset.done @!p0 $0x0  }
0x49: {  	[sflag:s8] =	ssyncadd.s32 @!p0 $0xFFFFFF80  }
0x4a: {  	_ =	swait.ge @!p0 [sflag:s8], $0x80  }
0x4b: {  	[sflag:s8] =	ssyncset.done @!p0 $0x0  }
0x4c: {  	[sflag:s8] =	ssyncadd.s32 @!p0 $0xFFFFFF80  }
0x4d: {  	_ =	swait.ge @!p0 [sflag:s8], $0x800  }
.Ltmp4:
0x4e: {  	[sflag:s8] =	ssyncset.done @!p0 $0x0;
	(pc) =	sbr.rel @p1 .LBB2_6-.Ltmp4, $4  }
0x4f: {  	s10 =	simm.s32 @!p0 $0x5200;
	[sflag:s8] =	ssyncadd.s32 @!p0 $0xFFFFF800;
	s8 =	simm.s32 @!p0 $0x80  }
0x50: {  	[tilespmem:s10], [sflag:$0x4] =	stream.indirect.gather @!p0 [hbm4b:s4+s8], $0x80, s8, s8, $0xb8;
	[tilespmem:$0x12300] =	vst v63  }
0x51: {  	s11 =	simm.s32 @!p0 $0xD200;
	s10 =	simm.s32 @!p0 $0x180  }
0x52: {  	[tilespmem:s11], [sflag:$0x4] =	stream.indirect.gather @!p0 [hbm4b:s4+s8], $0x80, s10, s8, $0xb8;
	[tilespmem:$0x12300] =	vst v63  }
0x53: {  	_ =	swait.ge [sflag:s24], $0x4000  }
0x54: {  	[sflag:s24] =	ssyncset.done $0x0  }
0x55: {  	[sflag:s24] =	ssyncadd.s32 $0xFFFFC000  }
0x56: {  	_ =	swait.ge [sflag:s24], $0x4000  }
0x57: {  	p1 =	seq.s32 s19, $0x0;
	[sflag:s24] =	ssyncset.done $0x0  }
0x58: {  	s8 =	simm.s32 @!p1 $0x5;
	[sflag:s24] =	ssyncadd.s32 $0xFFFFC000  }
0x59: {  	_ =	swait.ge @!p1 [sflag:s8], $0x800  }
0x5a: {  	[sflag:s8] =	ssyncset.done @!p1 $0x0  }
0x5b: {  	[sflag:s8] =	ssyncadd.s32 @!p1 $0xFFFFF800;
	s8 =	simm.s32 $0x0  }
0x5c: {  	s23 =	simm.s32 $0x1200;
	v1 =	vld [tilespmem:s8+$0x200]  }
0x5d: {  	v2 =	vld [tilespmem:s23+$0x0];
	_ =	sdelay $0x1  }
0x5e: {  	s31 =	simm.s32 $0x9210  }
0x5f: {  	v3 =	vld [tilespmem:s31+$0x0];
	_ =	sdelay $0x1  }
0x60: {  	v4 =	vadd.f32 v2, v1;
	v1 =	vld [tilespmem:$0x12200];
	_ =	sdelay $0x1  }
0x61: {  	v2 =	vld [tilespmem:$0x12280]  }
0x62: {  	s10 =	simm.s32 $0x40;
	s11 =	simm.s32 $0x80;
	v3 =	vadd.f32 v3, v4  }
.LBB2_4:
0x63: {  	p1 =	sne.s32 s11, $0x1FC0;
	s12 =	sshra.s32 s10, $0x2;
	s10 =	smov.u32 s11  }
0x64: {  	s23 =	sadd.s32 $0x80, s23;
	v4 =	vld [tilespmem:s12+$0x200];
	[tilespmem:s8+$0x11200] =	vst v3;
	v1 =	vadd.f32 v3, v1;
	v3 =	vmul.f32 v3, v3;
	s8 =	smov.u32 s12  }
0x65: {  	v5 =	vld [tilespmem:s23+$0x0]  }
0x66: {  	s31 =	sadd.s32 $0x80, s31;
	v2 =	vadd.f32 v3, v2  }
0x67: {  	v3 =	vld [tilespmem:s31+$0x0]  }
.Ltmp5:
0x68: {  	(pc) =	sbr.rel @p1 .LBB2_4-.Ltmp5, $3  }
0x69: {  	_ = 	snop  }
0x6a: {  	v4 =	vadd.f32 v5, v4;
	_ =	sdelay $0x1  }
0x6b: {  	s11 =	sadd.s32 $0x40, s11;
	v3 =	vadd.f32 v3, v4  }
0x6c: {  	s10 =	sshra.s32 s10, $0x2  }
0x6d: {  	s12 =	sadd.s32 $0x80, s23;
	v4 =	vld [tilespmem:s10+$0x200];
	[tilespmem:s8+$0x11200] =	vst v3  }
0x6e: {  	v5 =	vld [tilespmem:s12+$0x0]  }
0x6f: {  	s23 =	sadd.s32 $0x80, s31  }
0x70: {  	v6 =	vld [tilespmem:s23+$0x0];
	_ =	sdelay $0x2  }
0x71: {  	v4 =	vadd.f32 v5, v4;
	_ =	sdelay $0x1  }
0x72: {  	v63 =	vmul.f32 v3, v3;
	v4 =	vadd.f32 v6, v4  }
0x73: {  	v1 =	vadd.f32 v3, v1  }
0x74: {  	v2 =	vadd.f32 v63, v2;
	v3 =	vmul.f32 v4, v4  }
0x75: {  	v1 =	vadd.f32 v4, v1  }
0x76: {  	[tilespmem:s10+$0x11200] =	vst v4;
	v2 =	vadd.f32 v3, v2  }
0x77: {  	s31 =	sshll.u32 s22, $0x8;
	[tilespmem:$0x12200] =	vst v1  }
0x78: {  	s8 =	sadd.s32 s7, s31;
	[tilespmem:$0x12280] =	vst v2  }
0x79: {  	[hbm4b:s8+s2] =	stream.linear.scatter [tilespmem:s25], [sflag:$0x5], $0x800, $0x38;
	[tilespmem:$0x12300] =	vst v63  }
.LBB2_6:
0x7a: {  	s8 =	sadd.s32 s15, s20  }
0x7b: {  	p1 =	sgt.u32 s8, $0x9C3  }
0x7c: {  	s10 =	sshll.u32 @!p1 s8, $0x5  }
0x7d: {  	s12 =	simm.s32 @!p1 $0x0;
	s11 =	sadd.s32 @!p1 s1, s10  }
0x7e: {  	[tilespmem:s12], [sflag:$0x1] =	stream.linear.gather @!p1 [hbm4b:s11+s12], $0x80, $0x38;
	[tilespmem:$0x12300] =	vst v63  }
.Ltmp6:
0x7f: {  	_ = 	snop;
	(pc) =	sbr.rel @p0 .LBB2_10-.Ltmp6, $4  }
0x80: {  	s8 =	sshll.u32 @!p1 s8, $0x8;
	s10 =	sadd.s32 @!p1 s10, s9;
	s11 =	simm.s32 @!p1 $0x100  }
0x81: {  	[tilespmem:s11], [sflag:$0x1] =	stream.linear.gather @!p1 [hbm4b:s10+s12], $0x80, $0x38;
	[tilespmem:$0x12300] =	vst v63  }
0x82: {  	s8 =	sadd.s32 @!p1 s5, s8;
	s10 =	simm.s32 @!p1 $0x200  }
0x83: {  	[tilespmem:s10], [sflag:$0x1] =	stream.linear.gather @!p1 [hbm4b:s8+s12], $0x800, $0x38;
	[tilespmem:$0x12300] =	vst v63  }
0x84: {  	_ =	swait.ge [sflag:s26], $0x4000  }
0x85: {  	[sflag:s26] =	ssyncset.done $0x0  }
0x86: {  	[sflag:s26] =	ssyncadd.s32 $0xFFFFC000  }
0x87: {  	_ =	swait.ge [sflag:s26], $0x4000  }
0x88: {  	p0 =	seq.s32 s19, $0x0;
	[sflag:s26] =	ssyncset.done $0x0  }
0x89: {  	s8 =	simm.s32 @!p0 $0x6;
	[sflag:s26] =	ssyncadd.s32 $0xFFFFC000  }
0x8a: {  	_ =	swait.ge @!p0 [sflag:s8], $0x800  }
0x8b: {  	[sflag:s8] =	ssyncset.done @!p0 $0x0  }
0x8c: {  	[sflag:s8] =	ssyncadd.s32 @!p0 $0xFFFFF800;
	s8 =	simm.s32 $0x0  }
0x8d: {  	s22 =	simm.s32 $0x5200;
	v1 =	vld [tilespmem:s8+$0xA00]  }
0x8e: {  	v2 =	vld [tilespmem:s22+$0x0];
	_ =	sdelay $0x1  }
0x8f: {  	s23 =	simm.s32 $0xD210  }
0x90: {  	v3 =	vld [tilespmem:s23+$0x0];
	_ =	sdelay $0x1  }
0x91: {  	v4 =	vadd.f32 v2, v1;
	v1 =	vld [tilespmem:$0x12200];
	_ =	sdelay $0x1  }
0x92: {  	v2 =	vld [tilespmem:$0x12280]  }
0x93: {  	s10 =	simm.s32 $0x40;
	s11 =	simm.s32 $0x80;
	v3 =	vadd.f32 v3, v4  }
.LBB2_8:
0x94: {  	p0 =	sne.s32 s11, $0x1FC0;
	s12 =	sshra.s32 s10, $0x2;
	s10 =	smov.u32 s11  }
0x95: {  	s22 =	sadd.s32 $0x80, s22;
	v4 =	vld [tilespmem:s12+$0xA00];
	[tilespmem:s8+$0x11A00] =	vst v3;
	v1 =	vadd.f32 v3, v1;
	v3 =	vmul.f32 v3, v3;
	s8 =	smov.u32 s12  }
0x96: {  	v5 =	vld [tilespmem:s22+$0x0]  }
0x97: {  	s23 =	sadd.s32 $0x80, s23;
	v2 =	vadd.f32 v3, v2  }
0x98: {  	v3 =	vld [tilespmem:s23+$0x0]  }
.Ltmp7:
0x99: {  	(pc) =	sbr.rel @p0 .LBB2_8-.Ltmp7, $3  }
0x9a: {  	_ = 	snop  }
0x9b: {  	v4 =	vadd.f32 v5, v4;
	_ =	sdelay $0x1  }
0x9c: {  	s11 =	sadd.s32 $0x40, s11;
	v3 =	vadd.f32 v3, v4  }
0x9d: {  	s10 =	sshra.s32 s10, $0x2  }
0x9e: {  	s22 =	sadd.s32 $0x80, s22;
	v4 =	vld [tilespmem:s10+$0xA00];
	[tilespmem:s8+$0x11A00] =	vst v3  }
0x9f: {  	v5 =	vld [tilespmem:s22+$0x0]  }
0xa0: {  	s23 =	sadd.s32 $0x80, s23  }
0xa1: {  	v6 =	vld [tilespmem:s23+$0x0];
	_ =	sdelay $0x2  }
0xa2: {  	v4 =	vadd.f32 v5, v4;
	_ =	sdelay $0x1  }
0xa3: {  	v63 =	vmul.f32 v3, v3;
	v4 =	vadd.f32 v6, v4  }
0xa4: {  	v1 =	vadd.f32 v3, v1  }
0xa5: {  	v2 =	vadd.f32 v63, v2;
	v3 =	vmul.f32 v4, v4  }
.Ltmp8:
0xa6: {  	v1 =	vadd.f32 v4, v1;
	(pc) =	sbr.rel .LBB2_10-.Ltmp8, $4  }
0xa7: {  	[tilespmem:s10+$0x11A00] =	vst v4;
	v2 =	vadd.f32 v3, v2  }
0xa8: {  	s31 =	sshll.u32 s21, $0x8;
	[tilespmem:$0x12200] =	vst v1  }
0xa9: {  	s8 =	sadd.s32 s7, s31;
	[tilespmem:$0x12280] =	vst v2  }
0xaa: {  	[hbm4b:s8+s2] =	stream.linear.scatter [tilespmem:s28], [sflag:$0x6], $0x800, $0x38;
	[tilespmem:$0x12300] =	vst v63  }
.LBB2_12:
0xab: {  	_ =	sfence.sel $0x180000  }
0xac: {  	[bflag:$0x0] =	sbarrier.arrive $0xFFFF  }
0xad: {  	_ =	strace $0x90000047  }
0xae: {  	s0 =	stileid.u32;
	[bflag:$0x2] =	sbarrier.arrive $0xFFFF  }
0xaf: {  	p0 =	sne.s32 s0, $0x0;
	s0 =	rddreg [dreg:$0x2]  }
0xb0: {  	s0 =	sadd.s32 @!p0 $0x100000, s0  }
0xb1: {  	[sflag:s0] =	ssyncadd.tile.s32 @!p0 $0x1;
	_ =	shalt  }
.Lfunc_end2:
_tile_overlayer_lowered:
.L_overlay_start_2:
0xb2: {  	(tag) =	ssettag $0x2  }
0xb3: {  	s0 =	rddreg [dreg:$0x0];
	s2 =	stileid.u32  }
0xb4: {  	s1 =	rddreg [dreg:$0x1];
	p0 =	sne.s32 s2, $0x0  }
0xb5: {  	s3 =	rddreg [dreg:$0x2];
	[bflag:$0x3] =	sbarrier.arrive $0xFFFF;
	s2 =	simm.s32 @!p0 $0x1C07  }
0xb6: {  	[timem:s3], [sflag:s2] =	dma.local @!p0 [hbm:s0], s1  }
0xb7: {  	s0 =	simm.s32 @!p0 $0x7  }
0xb8: {  	_ =	swait.ge @!p0 [sflag:s0], s1  }
0xb9: {  	s1 =	ssub.s32 @!p0 $0x0, s1;
	[sflag:s0] =	ssyncset.done @!p0 $0x0  }
0xba: {  	[sflag:s0] =	ssyncadd.s32 @!p0 s1  }
0xbb: {  	[bflag:$0x3] =	sbarrier.arrive $0xFFFF  }
0xbc: {  	_ =	shalt  }

</sc_bundles>
